<compile_context>
chip_gen: v7x
topology: tpu7x:2x2x1
jax: 0.10.2.dev20260603
libtpu: 0.0.44.dev20260713+nightly
codegen_flags: <defaults>
</compile_context>

<pallas_src>
import functools

import jax
import jax.numpy as jnp
from jax import lax
from jax.experimental import pallas as pl
from jax.experimental.pallas import tpu as pltpu
from jax.experimental.pallas import tpu_sc as plsc

BATCH = 16384
DIM = 64
NUM_REL = 1000
L = 16
NW = 32
BPW = BATCH // NW
CH = 128
NCH = BPW // CH
GPC = CH // L

_mesh = plsc.VectorSubcoreMesh(core_axis_name="c", subcore_axis_name="s")


@functools.partial(
    pl.kernel,
    out_type=jax.ShapeDtypeStruct((BATCH,), jnp.float32),
    mesh=_mesh,
    compiler_params=pltpu.CompilerParams(needs_layout_passes=False),
    scratch_types=[
        pltpu.VMEM((DIM, 1024), jnp.float32),
        pltpu.VMEM((2, DIM, CH), jnp.float32),
        pltpu.VMEM((2, DIM, CH), jnp.float32),
        pltpu.VMEM((BPW,), jnp.int32),
        pltpu.VMEM((BPW,), jnp.float32),
        pltpu.VMEM_SHARED((DIM, 1024), jnp.float32),
        pltpu.SemaphoreType.DMA,
        pltpu.SemaphoreType.DMA,
        pltpu.SemaphoreType.DMA,
    ],
)
def _distmult_sc(hT_hbm, r_hbm, tT_hbm, dT_hbm, out_hbm,
                 d_v, h_v, t_v, r_v, o_v, d_sh, sem_d, sem0, sem1):
    sid = lax.axis_index("s")
    wid = sid * 2 + lax.axis_index("c")
    base = wid * BPW
    sems = [sem0, sem1]

    rows4 = pl.ds(sid * 4, 4)
    pltpu.sync_copy(dT_hbm.at[rows4], d_sh.at[rows4])
    pltpu.sync_copy(r_hbm.at[pl.ds(base, BPW)], r_v)

    def fire(c):
        p = c % 2
        ha = pltpu.async_copy(
            hT_hbm.at[:, pl.ds(base + c * CH, CH)], h_v.at[p], sems[p])
        ta = pltpu.async_copy(
            tT_hbm.at[:, pl.ds(base + c * CH, CH)], t_v.at[p], sems[p])
        return ha, ta

    pend = [fire(0), fire(1)]
    plsc.subcore_barrier()
    pltpu.sync_copy(d_sh, d_v)

    for c in range(NCH):
        p = c % 2
        for cp in pend[c]:
            cp.wait()
        hb = h_v.at[p]
        tb = t_v.at[p]

        def grp(g, carry, c=c, hb=hb, tb=tb):
            ids = r_v[pl.ds(c * CH + g * L, L)]
            z = jnp.zeros((L,), jnp.float32)

            def jblk(b, st):
                a0, a1, jv = st
                for u in range(8):
                    j = b * 8 + u
                    hv = hb[j, pl.ds(g * L, L)]
                    tv = tb[j, pl.ds(g * L, L)]
                    dv = plsc.load_gather(d_v, [jv, ids])
                    pv = (hv * tv) * dv
                    if u % 2 == 0:
                        a0 = a0 + pv
                    else:
                        a1 = a1 + pv
                    jv = jv + 1
                return a0, a1, jv

            a0, a1, _ = lax.fori_loop(
                0, DIM // 8, jblk, (z, z, jnp.zeros((L,), jnp.int32)))
            o_v[pl.ds(c * CH + g * L, L)] = a0 + a1
            return carry

        lax.fori_loop(0, GPC, grp, 0)
        if c + 2 < NCH:
            pend.append(fire(c + 2))

    pltpu.sync_copy(o_v, out_hbm.at[pl.ds(base, BPW)])


def kernel(h, r, t, diag):
    dT = jnp.pad(diag.T, ((0, 0), (0, 1024 - NUM_REL)))
    return _distmult_sc(h.T, r.astype(jnp.int32), t.T, dT)

# --- scband reference (transcript-rebuilt; emitter-appended) ---
"""Pipeline reference for scband-dist-mult-74852690035156 (READ-ONLY COPY).

The authoritative reference and input builder live on the scoring server;
editing this copy changes nothing except your own understanding.
"""

import jax, jax.numpy as jnp
import numpy as np

BATCH = 16384
DIM = 64
NUM_REL = 1000

def setup_inputs(seed: int = 0) -> dict:
    key = jax.random.key(seed)
    k1, k2, k3, k4 = jax.random.split(key, 4)
    h = jax.random.normal(k1, (BATCH, DIM), dtype=jnp.float32)
    t = jax.random.normal(k2, (BATCH, DIM), dtype=jnp.float32)
    r = jax.random.randint(k3, (BATCH,), 0, NUM_REL, dtype=jnp.int64 if jax.config.jax_enable_x64 else jnp.int32)
    # learned parameter: diag ~ Normal(init_mean=0.0, init_std=1.0)
    diag = 0.0 + 1.0 * jax.random.normal(k4, (NUM_REL, DIM), dtype=jnp.float32)
    return {"h": h, "r": r, "t": t, "diag": diag}

def reference(h, r, t, diag):
    # gather relation-specific diagonal vectors, then trilinear score
    rel = jnp.take(diag, r, axis=0)  # (batch, dim)
    return jnp.sum(h * t * rel, axis=-1)  # (batch,)

if __name__ == "__main__":
    import jax
    _d = setup_inputs()
    print(jax.jit(kernel)(*tuple(_d.values())))

</pallas_src>

<mosaic_0001>
#map = affine_map<(d0, d1) -> (0, 0)>
#map1 = affine_map<(d0, d1) -> (0)>
module attributes {stable_mosaic.version = 14 : i64} {
  func.func @_distmult_sc(%arg0: i32, %arg1: i32, %arg2: memref<64x16384xf32, #tpu.memory_space<hbm>>, %arg3: memref<16384xi32, #tpu.memory_space<hbm>>, %arg4: memref<64x16384xf32, #tpu.memory_space<hbm>>, %arg5: memref<64x1024xf32, #tpu.memory_space<hbm>>, %arg6: memref<16384xf32, #tpu.memory_space<hbm>>, %arg7: memref<64x1024xf32, #tpu.memory_space<vmem>>, %arg8: memref<2x64x128xf32, #tpu.memory_space<vmem>>, %arg9: memref<2x64x128xf32, #tpu.memory_space<vmem>>, %arg10: memref<512xi32, #tpu.memory_space<vmem>>, %arg11: memref<512xf32, #tpu.memory_space<vmem>>, %arg12: memref<64x1024xf32, #tpu.memory_space<vmem_shared>>, %arg13: memref<!tpu.dma_semaphore, #tpu.memory_space<semaphore_mem>>, %arg14: memref<!tpu.dma_semaphore, #tpu.memory_space<semaphore_mem>>, %arg15: memref<!tpu.dma_semaphore, #tpu.memory_space<semaphore_mem>>) attributes {dimension_semantics = [#tpu.dimension_semantics<core_parallel>, #tpu.dimension_semantics<subcore_parallel>], iteration_bounds = array<i64: 2, 16>, scalar_prefetch = 0 : i64, scratch_operands = 9 : i64, tpu.core_type = #tpu.core_type<sc_vector_subcore>, window_params = [{transform_indices = #map}, {transform_indices = #map1}, {transform_indices = #map}, {transform_indices = #map}, {transform_indices = #map1}]} {
    %mul3A = arith.constant 2 : i32
    %mul3A_0 = arith.muli %arg1, %mul3A : i32
    %add3A = arith.addi %mul3A_0, %arg0 : i32
    %mul3A_1 = arith.constant 512 : i32
    %mul3A_2 = arith.muli %add3A, %mul3A_1 : i32
    %mul3A_3 = arith.constant 4 : i32
    %mul3A_4 = arith.muli %arg1, %mul3A_3 : i32
    "tpu.region"() ({
      %run_scoped3A = tpu.sem_alloc : memref<!tpu.dma_semaphore, #tpu.memory_space<semaphore_mem>>
      %dma_start3A_258 = arith.constant 0 : i32
      %dma_start3A_259 = tpu.memref_slice %arg12[%mul3A_4, %dma_start3A_258] : memref<64x1024xf32, #tpu.memory_space<vmem_shared>> -> memref<4x1024xf32, #tpu.memory_space<vmem_shared>>
      %dma_start3A_260 = arith.constant 0 : i32
      %dma_start3A_261 = tpu.memref_slice %arg5[%mul3A_4, %dma_start3A_260] : memref<64x1024xf32, #tpu.memory_space<hbm>> -> memref<4x1024xf32, #tpu.memory_space<hbm>>
      tpu.enqueue_dma source(%dma_start3A_261 : memref<4x1024xf32, #tpu.memory_space<hbm>>) target(%dma_start3A_259 : memref<4x1024xf32, #tpu.memory_space<vmem_shared>>) target_semaphore(%run_scoped3A : memref<!tpu.dma_semaphore, #tpu.memory_space<semaphore_mem>>)
      %dma_wait3A_262 = arith.constant 0 : i32
      %dma_wait3A_263 = tpu.memref_slice %arg12[%mul3A_4, %dma_wait3A_262] : memref<64x1024xf32, #tpu.memory_space<vmem_shared>> -> memref<4x1024xf32, #tpu.memory_space<vmem_shared>>
      %dma_wait3A_264 = arith.constant 0 : i32
      %dma_wait3A_265 = tpu.memref_slice %arg5[%mul3A_4, %dma_wait3A_264] : memref<64x1024xf32, #tpu.memory_space<hbm>> -> memref<4x1024xf32, #tpu.memory_space<hbm>>
      tpu.wait_dma2 semaphore(%run_scoped3A : memref<!tpu.dma_semaphore, #tpu.memory_space<semaphore_mem>>) src(%dma_wait3A_265 : memref<4x1024xf32, #tpu.memory_space<hbm>>) dst(%dma_wait3A_263 : memref<4x1024xf32, #tpu.memory_space<vmem_shared>>)
      tpu.yield
    }) : () -> ()
    "tpu.region"() ({
      %run_scoped3A = tpu.sem_alloc : memref<!tpu.dma_semaphore, #tpu.memory_space<semaphore_mem>>
      %dma_start3A_258 = tpu.memref_slice %arg3[%mul3A_2] : memref<16384xi32, #tpu.memory_space<hbm>> -> memref<512xi32, #tpu.memory_space<hbm>>
      %dma_start3A_259 = tpu.memref_slice %arg3[%mul3A_2] : memref<16384xi32, #tpu.memory_space<hbm>> -> memref<512xi32, #tpu.memory_space<hbm>>
      tpu.enqueue_dma source(%dma_start3A_259 : memref<512xi32, #tpu.memory_space<hbm>>) target(%arg10 : memref<512xi32, #tpu.memory_space<vmem>>) target_semaphore(%run_scoped3A : memref<!tpu.dma_semaphore, #tpu.memory_space<semaphore_mem>>)
      %dma_wait3A_260 = tpu.memref_slice %arg3[%mul3A_2] : memref<16384xi32, #tpu.memory_space<hbm>> -> memref<512xi32, #tpu.memory_space<hbm>>
      %dma_wait3A_261 = tpu.memref_slice %arg3[%mul3A_2] : memref<16384xi32, #tpu.memory_space<hbm>> -> memref<512xi32, #tpu.memory_space<hbm>>
      tpu.wait_dma2 semaphore(%run_scoped3A : memref<!tpu.dma_semaphore, #tpu.memory_space<semaphore_mem>>) src(%dma_wait3A_261 : memref<512xi32, #tpu.memory_space<hbm>>) dst(%arg10 : memref<512xi32, #tpu.memory_space<vmem>>)
      tpu.yield
    }) : () -> ()
    %add3A_5 = arith.constant 0 : i32
    %add3A_6 = arith.addi %mul3A_2, %add3A_5 : i32
    %dma_start3A = arith.constant 0 : i32
    %dma_start3A_7 = arith.constant 0 : i32
    %dma_start3A_8 = arith.constant 0 : i32
    %dma_start3A_9 = tpu.memref_slice %arg8[%dma_start3A, %dma_start3A_7, %dma_start3A_8] : memref<2x64x128xf32, #tpu.memory_space<vmem>> -> memref<1x64x128xf32, #tpu.memory_space<vmem>>
    %dma_start3A_10 = tpu.memref_squeeze %dma_start3A_9 : memref<1x64x128xf32, #tpu.memory_space<vmem>> -> memref<64x128xf32, #tpu.memory_space<vmem>>
    %dma_start3A_11 = arith.constant 0 : i32
    %dma_start3A_12 = tpu.memref_slice %arg2[%dma_start3A_11, %add3A_6] : memref<64x16384xf32, #tpu.memory_space<hbm>> -> memref<64x128xf32, #tpu.memory_space<hbm>>
    %dma_start3A_13 = arith.constant 0 : i32
    %dma_start3A_14 = arith.constant 0 : i32
    %dma_start3A_15 = tpu.memref_slice %arg8[%dma_start3A, %dma_start3A_13, %dma_start3A_14] : memref<2x64x128xf32, #tpu.memory_space<vmem>> -> memref<1x64x128xf32, #tpu.memory_space<vmem>>
    %dma_start3A_16 = tpu.memref_squeeze %dma_start3A_15 : memref<1x64x128xf32, #tpu.memory_space<vmem>> -> memref<64x128xf32, #tpu.memory_space<vmem>>
    %dma_start3A_17 = arith.constant 0 : i32
    %dma_start3A_18 = tpu.memref_slice %arg2[%dma_start3A_17, %add3A_6] : memref<64x16384xf32, #tpu.memory_space<hbm>> -> memref<64x128xf32, #tpu.memory_space<hbm>>
    tpu.enqueue_dma source(%dma_start3A_18 : memref<64x128xf32, #tpu.memory_space<hbm>>) target(%dma_start3A_16 : memref<64x128xf32, #tpu.memory_space<vmem>>) target_semaphore(%arg14 : memref<!tpu.dma_semaphore, #tpu.memory_space<semaphore_mem>>)
    %add3A_19 = arith.constant 0 : i32
    %add3A_20 = arith.addi %mul3A_2, %add3A_19 : i32
    %dma_start3A_21 = arith.constant 0 : i32
    %dma_start3A_22 = arith.constant 0 : i32
    %dma_start3A_23 = arith.constant 0 : i32
    %dma_start3A_24 = tpu.memref_slice %arg9[%dma_start3A_21, %dma_start3A_22, %dma_start3A_23] : memref<2x64x128xf32, #tpu.memory_space<vmem>> -> memref<1x64x128xf32, #tpu.memory_space<vmem>>
    %dma_start3A_25 = tpu.memref_squeeze %dma_start3A_24 : memref<1x64x128xf32, #tpu.memory_space<vmem>> -> memref<64x128xf32, #tpu.memory_space<vmem>>
    %dma_start3A_26 = arith.constant 0 : i32
    %dma_start3A_27 = tpu.memref_slice %arg4[%dma_start3A_26, %add3A_20] : memref<64x16384xf32, #tpu.memory_space<hbm>> -> memref<64x128xf32, #tpu.memory_space<hbm>>
    %dma_start3A_28 = arith.constant 0 : i32
    %dma_start3A_29 = arith.constant 0 : i32
    %dma_start3A_30 = tpu.memref_slice %arg9[%dma_start3A_21, %dma_start3A_28, %dma_start3A_29] : memref<2x64x128xf32, #tpu.memory_space<vmem>> -> memref<1x64x128xf32, #tpu.memory_space<vmem>>
    %dma_start3A_31 = tpu.memref_squeeze %dma_start3A_30 : memref<1x64x128xf32, #tpu.memory_space<vmem>> -> memref<64x128xf32, #tpu.memory_space<vmem>>
    %dma_start3A_32 = arith.constant 0 : i32
    %dma_start3A_33 = tpu.memref_slice %arg4[%dma_start3A_32, %add3A_20] : memref<64x16384xf32, #tpu.memory_space<hbm>> -> memref<64x128xf32, #tpu.memory_space<hbm>>
    tpu.enqueue_dma source(%dma_start3A_33 : memref<64x128xf32, #tpu.memory_space<hbm>>) target(%dma_start3A_31 : memref<64x128xf32, #tpu.memory_space<vmem>>) target_semaphore(%arg14 : memref<!tpu.dma_semaphore, #tpu.memory_space<semaphore_mem>>)
    %add3A_34 = arith.constant 128 : i32
    %add3A_35 = arith.addi %mul3A_2, %add3A_34 : i32
    %dma_start3A_36 = arith.constant 1 : i32
    %dma_start3A_37 = arith.constant 0 : i32
    %dma_start3A_38 = arith.constant 0 : i32
    %dma_start3A_39 = tpu.memref_slice %arg8[%dma_start3A_36, %dma_start3A_37, %dma_start3A_38] : memref<2x64x128xf32, #tpu.memory_space<vmem>> -> memref<1x64x128xf32, #tpu.memory_space<vmem>>
    %dma_start3A_40 = tpu.memref_squeeze %dma_start3A_39 : memref<1x64x128xf32, #tpu.memory_space<vmem>> -> memref<64x128xf32, #tpu.memory_space<vmem>>
    %dma_start3A_41 = arith.constant 0 : i32
    %dma_start3A_42 = tpu.memref_slice %arg2[%dma_start3A_41, %add3A_35] : memref<64x16384xf32, #tpu.memory_space<hbm>> -> memref<64x128xf32, #tpu.memory_space<hbm>>
    %dma_start3A_43 = arith.constant 0 : i32
    %dma_start3A_44 = arith.constant 0 : i32
    %dma_start3A_45 = tpu.memref_slice %arg8[%dma_start3A_36, %dma_start3A_43, %dma_start3A_44] : memref<2x64x128xf32, #tpu.memory_space<vmem>> -> memref<1x64x128xf32, #tpu.memory_space<vmem>>
    %dma_start3A_46 = tpu.memref_squeeze %dma_start3A_45 : memref<1x64x128xf32, #tpu.memory_space<vmem>> -> memref<64x128xf32, #tpu.memory_space<vmem>>
    %dma_start3A_47 = arith.constant 0 : i32
    %dma_start3A_48 = tpu.memref_slice %arg2[%dma_start3A_47, %add3A_35] : memref<64x16384xf32, #tpu.memory_space<hbm>> -> memref<64x128xf32, #tpu.memory_space<hbm>>
    tpu.enqueue_dma source(%dma_start3A_48 : memref<64x128xf32, #tpu.memory_space<hbm>>) target(%dma_start3A_46 : memref<64x128xf32, #tpu.memory_space<vmem>>) target_semaphore(%arg15 : memref<!tpu.dma_semaphore, #tpu.memory_space<semaphore_mem>>)
    %add3A_49 = arith.constant 128 : i32
    %add3A_50 = arith.addi %mul3A_2, %add3A_49 : i32
    %dma_start3A_51 = arith.constant 1 : i32
    %dma_start3A_52 = arith.constant 0 : i32
    %dma_start3A_53 = arith.constant 0 : i32
    %dma_start3A_54 = tpu.memref_slice %arg9[%dma_start3A_51, %dma_start3A_52, %dma_start3A_53] : memref<2x64x128xf32, #tpu.memory_space<vmem>> -> memref<1x64x128xf32, #tpu.memory_space<vmem>>
    %dma_start3A_55 = tpu.memref_squeeze %dma_start3A_54 : memref<1x64x128xf32, #tpu.memory_space<vmem>> -> memref<64x128xf32, #tpu.memory_space<vmem>>
    %dma_start3A_56 = arith.constant 0 : i32
    %dma_start3A_57 = tpu.memref_slice %arg4[%dma_start3A_56, %add3A_50] : memref<64x16384xf32, #tpu.memory_space<hbm>> -> memref<64x128xf32, #tpu.memory_space<hbm>>
    %dma_start3A_58 = arith.constant 0 : i32
    %dma_start3A_59 = arith.constant 0 : i32
    %dma_start3A_60 = tpu.memref_slice %arg9[%dma_start3A_51, %dma_start3A_58, %dma_start3A_59] : memref<2x64x128xf32, #tpu.memory_space<vmem>> -> memref<1x64x128xf32, #tpu.memory_space<vmem>>
    %dma_start3A_61 = tpu.memref_squeeze %dma_start3A_60 : memref<1x64x128xf32, #tpu.memory_space<vmem>> -> memref<64x128xf32, #tpu.memory_space<vmem>>
    %dma_start3A_62 = arith.constant 0 : i32
    %dma_start3A_63 = tpu.memref_slice %arg4[%dma_start3A_62, %add3A_50] : memref<64x16384xf32, #tpu.memory_space<hbm>> -> memref<64x128xf32, #tpu.memory_space<hbm>>
    tpu.enqueue_dma source(%dma_start3A_63 : memref<64x128xf32, #tpu.memory_space<hbm>>) target(%dma_start3A_61 : memref<64x128xf32, #tpu.memory_space<vmem>>) target_semaphore(%arg15 : memref<!tpu.dma_semaphore, #tpu.memory_space<semaphore_mem>>)
    %barrier3A = arith.constant 0 : index
    tpu.barrier barrier_id(%barrier3A)
    "tpu.region"() ({
      %run_scoped3A = tpu.sem_alloc : memref<!tpu.dma_semaphore, #tpu.memory_space<semaphore_mem>>
      tpu.enqueue_dma source(%arg12 : memref<64x1024xf32, #tpu.memory_space<vmem_shared>>) target(%arg7 : memref<64x1024xf32, #tpu.memory_space<vmem>>) target_semaphore(%run_scoped3A : memref<!tpu.dma_semaphore, #tpu.memory_space<semaphore_mem>>)
      tpu.wait_dma2 semaphore(%run_scoped3A : memref<!tpu.dma_semaphore, #tpu.memory_space<semaphore_mem>>) src(%arg12 : memref<64x1024xf32, #tpu.memory_space<vmem_shared>>) dst(%arg7 : memref<64x1024xf32, #tpu.memory_space<vmem>>)
      tpu.yield
    }) : () -> ()
    %dma_wait3A = arith.constant 0 : i32
    %dma_wait3A_64 = arith.constant 0 : i32
    %dma_wait3A_65 = arith.constant 0 : i32
    %dma_wait3A_66 = tpu.memref_slice %arg8[%dma_wait3A, %dma_wait3A_64, %dma_wait3A_65] : memref<2x64x128xf32, #tpu.memory_space<vmem>> -> memref<1x64x128xf32, #tpu.memory_space<vmem>>
    %dma_wait3A_67 = tpu.memref_squeeze %dma_wait3A_66 : memref<1x64x128xf32, #tpu.memory_space<vmem>> -> memref<64x128xf32, #tpu.memory_space<vmem>>
    %dma_wait3A_68 = arith.constant 0 : i32
    %dma_wait3A_69 = tpu.memref_slice %arg2[%dma_wait3A_68, %add3A_6] : memref<64x16384xf32, #tpu.memory_space<hbm>> -> memref<64x128xf32, #tpu.memory_space<hbm>>
    %dma_wait3A_70 = arith.constant 0 : i32
    %dma_wait3A_71 = arith.constant 0 : i32
    %dma_wait3A_72 = tpu.memref_slice %arg8[%dma_wait3A, %dma_wait3A_70, %dma_wait3A_71] : memref<2x64x128xf32, #tpu.memory_space<vmem>> -> memref<1x64x128xf32, #tpu.memory_space<vmem>>
    %dma_wait3A_73 = tpu.memref_squeeze %dma_wait3A_72 : memref<1x64x128xf32, #tpu.memory_space<vmem>> -> memref<64x128xf32, #tpu.memory_space<vmem>>
    %dma_wait3A_74 = arith.constant 0 : i32
    %dma_wait3A_75 = tpu.memref_slice %arg2[%dma_wait3A_74, %add3A_6] : memref<64x16384xf32, #tpu.memory_space<hbm>> -> memref<64x128xf32, #tpu.memory_space<hbm>>
    tpu.wait_dma2 semaphore(%arg14 : memref<!tpu.dma_semaphore, #tpu.memory_space<semaphore_mem>>) src(%dma_wait3A_75 : memref<64x128xf32, #tpu.memory_space<hbm>>) dst(%dma_wait3A_73 : memref<64x128xf32, #tpu.memory_space<vmem>>)
    %dma_wait3A_76 = arith.constant 0 : i32
    %dma_wait3A_77 = arith.constant 0 : i32
    %dma_wait3A_78 = arith.constant 0 : i32
    %dma_wait3A_79 = tpu.memref_slice %arg9[%dma_wait3A_76, %dma_wait3A_77, %dma_wait3A_78] : memref<2x64x128xf32, #tpu.memory_space<vmem>> -> memref<1x64x128xf32, #tpu.memory_space<vmem>>
    %dma_wait3A_80 = tpu.memref_squeeze %dma_wait3A_79 : memref<1x64x128xf32, #tpu.memory_space<vmem>> -> memref<64x128xf32, #tpu.memory_space<vmem>>
    %dma_wait3A_81 = arith.constant 0 : i32
    %dma_wait3A_82 = tpu.memref_slice %arg4[%dma_wait3A_81, %add3A_20] : memref<64x16384xf32, #tpu.memory_space<hbm>> -> memref<64x128xf32, #tpu.memory_space<hbm>>
    %dma_wait3A_83 = arith.constant 0 : i32
    %dma_wait3A_84 = arith.constant 0 : i32
    %dma_wait3A_85 = tpu.memref_slice %arg9[%dma_wait3A_76, %dma_wait3A_83, %dma_wait3A_84] : memref<2x64x128xf32, #tpu.memory_space<vmem>> -> memref<1x64x128xf32, #tpu.memory_space<vmem>>
    %dma_wait3A_86 = tpu.memref_squeeze %dma_wait3A_85 : memref<1x64x128xf32, #tpu.memory_space<vmem>> -> memref<64x128xf32, #tpu.memory_space<vmem>>
    %dma_wait3A_87 = arith.constant 0 : i32
    %dma_wait3A_88 = tpu.memref_slice %arg4[%dma_wait3A_87, %add3A_20] : memref<64x16384xf32, #tpu.memory_space<hbm>> -> memref<64x128xf32, #tpu.memory_space<hbm>>
    tpu.wait_dma2 semaphore(%arg14 : memref<!tpu.dma_semaphore, #tpu.memory_space<semaphore_mem>>) src(%dma_wait3A_88 : memref<64x128xf32, #tpu.memory_space<hbm>>) dst(%dma_wait3A_86 : memref<64x128xf32, #tpu.memory_space<vmem>>)
    %scan3A = arith.constant 0 : i32
    %scan3A_89 = arith.constant 0 : i32
    %scan3A_90 = arith.constant 0 : i32
    %scan3A_91 = arith.constant 0 : i32
    %scan3A_92 = arith.constant 8 : i32
    %scan3A_93 = arith.addi %scan3A_91, %scan3A_92 : i32
    %scan3A_94 = arith.constant 1 : i32
    scf.for %scan3A_258 = %scan3A_91 to %scan3A_93 step %scan3A_94  : i32 {
      %mul3A_259 = arith.constant 16 : i32
      %mul3A_260 = arith.muli %scan3A_258, %mul3A_259 : i32
      %add3A_261 = arith.constant 0 : i32
      %add3A_262 = arith.addi %add3A_261, %mul3A_260 : i32
      %get3A = arith.index_cast %add3A_262 : i32 to index
      %get3A_263 = tpu.vector_load %arg10[%get3A] {strides = array<i32>} : memref<512xi32, #tpu.memory_space<vmem>>, vector<16xi32>,
      %broadcast_in_dim3A = arith.constant 0.000000e+00 : f32
      %broadcast_in_dim3A_264 = vector.broadcast %broadcast_in_dim3A : f32 to vector<16xf32>
      %broadcast_in_dim3A_265 = arith.constant 0 : i32
      %broadcast_in_dim3A_266 = vector.broadcast %broadcast_in_dim3A_265 : i32 to vector<16xi32>
      %scan3A_267 = arith.constant 0 : i32
      %scan3A_268 = arith.constant 8 : i32
      %scan3A_269 = arith.addi %scan3A_267, %scan3A_268 : i32
      %scan3A_270 = arith.constant 1 : i32
      %scan3A_271:3 = scf.for %scan3A_279 = %scan3A_267 to %scan3A_269 step %scan3A_270 iter_args(%scan3A_280 = %broadcast_in_dim3A_264, %scan3A_281 = %broadcast_in_dim3A_264, %scan3A_282 = %broadcast_in_dim3A_266) -> (vector<16xf32>, vector<16xf32>, vector<16xi32>)  : i32 {
        %mul3A_283 = arith.constant 8 : i32
        %mul3A_284 = arith.muli %scan3A_279, %mul3A_283 : i32
        %add3A_285 = arith.constant 0 : i32
        %add3A_286 = arith.addi %mul3A_284, %add3A_285 : i32
        %mul3A_287 = arith.constant 16 : i32
        %mul3A_288 = arith.muli %scan3A_258, %mul3A_287 : i32
        %get3A_289 = arith.constant 0 : i32
        %get3A_290 = arith.constant 0 : i32
        %get3A_291 = tpu.memref_slice %arg8[%scan3A_89, %get3A_289, %get3A_290] : memref<2x64x128xf32, #tpu.memory_space<vmem>> -> memref<1x64x128xf32, #tpu.memory_space<vmem>>
        %get3A_292 = tpu.memref_squeeze %get3A_291 : memref<1x64x128xf32, #tpu.memory_space<vmem>> -> memref<64x128xf32, #tpu.memory_space<vmem>>
        %get3A_293 = arith.index_cast %add3A_286 : i32 to index
        %get3A_294 = arith.index_cast %mul3A_288 : i32 to index
        %get3A_295 = tpu.vector_load %get3A_292[%get3A_293, %get3A_294] {strides = array<i32>} : memref<64x128xf32, #tpu.memory_space<vmem>>, vector<16xf32>,
        %mul3A_296 = arith.constant 16 : i32
        %mul3A_297 = arith.muli %scan3A_258, %mul3A_296 : i32
        %get3A_298 = arith.constant 0 : i32
        %get3A_299 = arith.constant 0 : i32
        %get3A_300 = tpu.memref_slice %arg9[%scan3A_90, %get3A_298, %get3A_299] : memref<2x64x128xf32, #tpu.memory_space<vmem>> -> memref<1x64x128xf32, #tpu.memory_space<vmem>>
        %get3A_301 = tpu.memref_squeeze %get3A_300 : memref<1x64x128xf32, #tpu.memory_space<vmem>> -> memref<64x128xf32, #tpu.memory_space<vmem>>
        %get3A_302 = arith.index_cast %add3A_286 : i32 to index
        %get3A_303 = arith.index_cast %mul3A_297 : i32 to index
        %get3A_304 = tpu.vector_load %get3A_301[%get3A_302, %get3A_303] {strides = array<i32>} : memref<64x128xf32, #tpu.memory_space<vmem>>, vector<16xf32>,
        %gather3A = tpu.vector_load_idx %arg7[%scan3A_282, %get3A_263] : memref<64x1024xf32, #tpu.memory_space<vmem>>[vector<16xi32>, vector<16xi32>], vector<16xf32>,
        %mul3A_305 = arith.mulf %get3A_295, %get3A_304 : vector<16xf32>
        %mul3A_306 = arith.mulf %mul3A_305, %gather3A : vector<16xf32>
        %add3A_307 = arith.addf %scan3A_280, %mul3A_306 : vector<16xf32>
        %add3A_308 = arith.constant 1 : i32
        %add3A_309 = vector.broadcast %add3A_308 : i32 to vector<16xi32>
        %add3A_310 = arith.addi %scan3A_282, %add3A_309 : vector<16xi32>
        %mul3A_311 = arith.constant 8 : i32
        %mul3A_312 = arith.muli %scan3A_279, %mul3A_311 : i32
        %add3A_313 = arith.constant 1 : i32
        %add3A_314 = arith.addi %mul3A_312, %add3A_313 : i32
        %mul3A_315 = arith.constant 16 : i32
        %mul3A_316 = arith.muli %scan3A_258, %mul3A_315 : i32
        %get3A_317 = arith.constant 0 : i32
        %get3A_318 = arith.constant 0 : i32
        %get3A_319 = tpu.memref_slice %arg8[%scan3A_89, %get3A_317, %get3A_318] : memref<2x64x128xf32, #tpu.memory_space<vmem>> -> memref<1x64x128xf32, #tpu.memory_space<vmem>>
        %get3A_320 = tpu.memref_squeeze %get3A_319 : memref<1x64x128xf32, #tpu.memory_space<vmem>> -> memref<64x128xf32, #tpu.memory_space<vmem>>
        %get3A_321 = arith.index_cast %add3A_314 : i32 to index
        %get3A_322 = arith.index_cast %mul3A_316 : i32 to index
        %get3A_323 = tpu.vector_load %get3A_320[%get3A_321, %get3A_322] {strides = array<i32>} : memref<64x128xf32, #tpu.memory_space<vmem>>, vector<16xf32>,
        %mul3A_324 = arith.constant 16 : i32
        %mul3A_325 = arith.muli %scan3A_258, %mul3A_324 : i32
        %get3A_326 = arith.constant 0 : i32
        %get3A_327 = arith.constant 0 : i32
        %get3A_328 = tpu.memref_slice %arg9[%scan3A_90, %get3A_326, %get3A_327] : memref<2x64x128xf32, #tpu.memory_space<vmem>> -> memref<1x64x128xf32, #tpu.memory_space<vmem>>
        %get3A_329 = tpu.memref_squeeze %get3A_328 : memref<1x64x128xf32, #tpu.memory_space<vmem>> -> memref<64x128xf32, #tpu.memory_space<vmem>>
        %get3A_330 = arith.index_cast %add3A_314 : i32 to index
        %get3A_331 = arith.index_cast %mul3A_325 : i32 to index
        %get3A_332 = tpu.vector_load %get3A_329[%get3A_330, %get3A_331] {strides = array<i32>} : memref<64x128xf32, #tpu.memory_space<vmem>>, vector<16xf32>,
        %gather3A_333 = tpu.vector_load_idx %arg7[%add3A_310, %get3A_263] : memref<64x1024xf32, #tpu.memory_space<vmem>>[vector<16xi32>, vector<16xi32>], vector<16xf32>,
        %mul3A_334 = arith.mulf %get3A_323, %get3A_332 : vector<16xf32>
        %mul3A_335 = arith.mulf %mul3A_334, %gather3A_333 : vector<16xf32>
        %add3A_336 = arith.addf %scan3A_281, %mul3A_335 : vector<16xf32>
        %add3A_337 = arith.constant 1 : i32
        %add3A_338 = vector.broadcast %add3A_337 : i32 to vector<16xi32>
        %add3A_339 = arith.addi %add3A_310, %add3A_338 : vector<16xi32>
        %mul3A_340 = arith.constant 8 : i32
        %mul3A_341 = arith.muli %scan3A_279, %mul3A_340 : i32
        %add3A_342 = arith.constant 2 : i32
        %add3A_343 = arith.addi %mul3A_341, %add3A_342 : i32
        %mul3A_344 = arith.constant 16 : i32
        %mul3A_345 = arith.muli %scan3A_258, %mul3A_344 : i32
        %get3A_346 = arith.constant 0 : i32
        %get3A_347 = arith.constant 0 : i32
        %get3A_348 = tpu.memref_slice %arg8[%scan3A_89, %get3A_346, %get3A_347] : memref<2x64x128xf32, #tpu.memory_space<vmem>> -> memref<1x64x128xf32, #tpu.memory_space<vmem>>
        %get3A_349 = tpu.memref_squeeze %get3A_348 : memref<1x64x128xf32, #tpu.memory_space<vmem>> -> memref<64x128xf32, #tpu.memory_space<vmem>>
        %get3A_350 = arith.index_cast %add3A_343 : i32 to index
        %get3A_351 = arith.index_cast %mul3A_345 : i32 to index
        %get3A_352 = tpu.vector_load %get3A_349[%get3A_350, %get3A_351] {strides = array<i32>} : memref<64x128xf32, #tpu.memory_space<vmem>>, vector<16xf32>,
        %mul3A_353 = arith.constant 16 : i32
        %mul3A_354 = arith.muli %scan3A_258, %mul3A_353 : i32
        %get3A_355 = arith.constant 0 : i32
        %get3A_356 = arith.constant 0 : i32
        %get3A_357 = tpu.memref_slice %arg9[%scan3A_90, %get3A_355, %get3A_356] : memref<2x64x128xf32, #tpu.memory_space<vmem>> -> memref<1x64x128xf32, #tpu.memory_space<vmem>>
        %get3A_358 = tpu.memref_squeeze %get3A_357 : memref<1x64x128xf32, #tpu.memory_space<vmem>> -> memref<64x128xf32, #tpu.memory_space<vmem>>
        %get3A_359 = arith.index_cast %add3A_343 : i32 to index
        %get3A_360 = arith.index_cast %mul3A_354 : i32 to index
        %get3A_361 = tpu.vector_load %get3A_358[%get3A_359, %get3A_360] {strides = array<i32>} : memref<64x128xf32, #tpu.memory_space<vmem>>, vector<16xf32>,
        %gather3A_362 = tpu.vector_load_idx %arg7[%add3A_339, %get3A_263] : memref<64x1024xf32, #tpu.memory_space<vmem>>[vector<16xi32>, vector<16xi32>], vector<16xf32>,
        %mul3A_363 = arith.mulf %get3A_352, %get3A_361 : vector<16xf32>
        %mul3A_364 = arith.mulf %mul3A_363, %gather3A_362 : vector<16xf32>
        %add3A_365 = arith.addf %add3A_307, %mul3A_364 : vector<16xf32>
        %add3A_366 = arith.constant 1 : i32
        %add3A_367 = vector.broadcast %add3A_366 : i32 to vector<16xi32>
        %add3A_368 = arith.addi %add3A_339, %add3A_367 : vector<16xi32>
        %mul3A_369 = arith.constant 8 : i32
        %mul3A_370 = arith.muli %scan3A_279, %mul3A_369 : i32
        %add3A_371 = arith.constant 3 : i32
        %add3A_372 = arith.addi %mul3A_370, %add3A_371 : i32
        %mul3A_373 = arith.constant 16 : i32
        %mul3A_374 = arith.muli %scan3A_258, %mul3A_373 : i32
        %get3A_375 = arith.constant 0 : i32
        %get3A_376 = arith.constant 0 : i32
        %get3A_377 = tpu.memref_slice %arg8[%scan3A_89, %get3A_375, %get3A_376] : memref<2x64x128xf32, #tpu.memory_space<vmem>> -> memref<1x64x128xf32, #tpu.memory_space<vmem>>
        %get3A_378 = tpu.memref_squeeze %get3A_377 : memref<1x64x128xf32, #tpu.memory_space<vmem>> -> memref<64x128xf32, #tpu.memory_space<vmem>>
        %get3A_379 = arith.index_cast %add3A_372 : i32 to index
        %get3A_380 = arith.index_cast %mul3A_374 : i32 to index
        %get3A_381 = tpu.vector_load %get3A_378[%get3A_379, %get3A_380] {strides = array<i32>} : memref<64x128xf32, #tpu.memory_space<vmem>>, vector<16xf32>,
        %mul3A_382 = arith.constant 16 : i32
        %mul3A_383 = arith.muli %scan3A_258, %mul3A_382 : i32
        %get3A_384 = arith.constant 0 : i32
        %get3A_385 = arith.constant 0 : i32
        %get3A_386 = tpu.memref_slice %arg9[%scan3A_90, %get3A_384, %get3A_385] : memref<2x64x128xf32, #tpu.memory_space<vmem>> -> memref<1x64x128xf32, #tpu.memory_space<vmem>>
        %get3A_387 = tpu.memref_squeeze %get3A_386 : memref<1x64x128xf32, #tpu.memory_space<vmem>> -> memref<64x128xf32, #tpu.memory_space<vmem>>
        %get3A_388 = arith.index_cast %add3A_372 : i32 to index
        %get3A_389 = arith.index_cast %mul3A_383 : i32 to index
        %get3A_390 = tpu.vector_load %get3A_387[%get3A_388, %get3A_389] {strides = array<i32>} : memref<64x128xf32, #tpu.memory_space<vmem>>, vector<16xf32>,
        %gather3A_391 = tpu.vector_load_idx %arg7[%add3A_368, %get3A_263] : memref<64x1024xf32, #tpu.memory_space<vmem>>[vector<16xi32>, vector<16xi32>], vector<16xf32>,
        %mul3A_392 = arith.mulf %get3A_381, %get3A_390 : vector<16xf32>
        %mul3A_393 = arith.mulf %mul3A_392, %gather3A_391 : vector<16xf32>
        %add3A_394 = arith.addf %add3A_336, %mul3A_393 : vector<16xf32>
        %add3A_395 = arith.constant 1 : i32
        %add3A_396 = vector.broadcast %add3A_395 : i32 to vector<16xi32>
        %add3A_397 = arith.addi %add3A_368, %add3A_396 : vector<16xi32>
        %mul3A_398 = arith.constant 8 : i32
        %mul3A_399 = arith.muli %scan3A_279, %mul3A_398 : i32
        %add3A_400 = arith.constant 4 : i32
        %add3A_401 = arith.addi %mul3A_399, %add3A_400 : i32
        %mul3A_402 = arith.constant 16 : i32
        %mul3A_403 = arith.muli %scan3A_258, %mul3A_402 : i32
        %get3A_404 = arith.constant 0 : i32
        %get3A_405 = arith.constant 0 : i32
        %get3A_406 = tpu.memref_slice %arg8[%scan3A_89, %get3A_404, %get3A_405] : memref<2x64x128xf32, #tpu.memory_space<vmem>> -> memref<1x64x128xf32, #tpu.memory_space<vmem>>
        %get3A_407 = tpu.memref_squeeze %get3A_406 : memref<1x64x128xf32, #tpu.memory_space<vmem>> -> memref<64x128xf32, #tpu.memory_space<vmem>>
        %get3A_408 = arith.index_cast %add3A_401 : i32 to index
        %get3A_409 = arith.index_cast %mul3A_403 : i32 to index
        %get3A_410 = tpu.vector_load %get3A_407[%get3A_408, %get3A_409] {strides = array<i32>} : memref<64x128xf32, #tpu.memory_space<vmem>>, vector<16xf32>,
        %mul3A_411 = arith.constant 16 : i32
        %mul3A_412 = arith.muli %scan3A_258, %mul3A_411 : i32
        %get3A_413 = arith.constant 0 : i32
        %get3A_414 = arith.constant 0 : i32
        %get3A_415 = tpu.memref_slice %arg9[%scan3A_90, %get3A_413, %get3A_414] : memref<2x64x128xf32, #tpu.memory_space<vmem>> -> memref<1x64x128xf32, #tpu.memory_space<vmem>>
        %get3A_416 = tpu.memref_squeeze %get3A_415 : memref<1x64x128xf32, #tpu.memory_space<vmem>> -> memref<64x128xf32, #tpu.memory_space<vmem>>
        %get3A_417 = arith.index_cast %add3A_401 : i32 to index
        %get3A_418 = arith.index_cast %mul3A_412 : i32 to index
        %get3A_419 = tpu.vector_load %get3A_416[%get3A_417, %get3A_418] {strides = array<i32>} : memref<64x128xf32, #tpu.memory_space<vmem>>, vector<16xf32>,
        %gather3A_420 = tpu.vector_load_idx %arg7[%add3A_397, %get3A_263] : memref<64x1024xf32, #tpu.memory_space<vmem>>[vector<16xi32>, vector<16xi32>], vector<16xf32>,
        %mul3A_421 = arith.mulf %get3A_410, %get3A_419 : vector<16xf32>
        %mul3A_422 = arith.mulf %mul3A_421, %gather3A_420 : vector<16xf32>
        %add3A_423 = arith.addf %add3A_365, %mul3A_422 : vector<16xf32>
        %add3A_424 = arith.constant 1 : i32
        %add3A_425 = vector.broadcast %add3A_424 : i32 to vector<16xi32>
        %add3A_426 = arith.addi %add3A_397, %add3A_425 : vector<16xi32>
        %mul3A_427 = arith.constant 8 : i32
        %mul3A_428 = arith.muli %scan3A_279, %mul3A_427 : i32
        %add3A_429 = arith.constant 5 : i32
        %add3A_430 = arith.addi %mul3A_428, %add3A_429 : i32
        %mul3A_431 = arith.constant 16 : i32
        %mul3A_432 = arith.muli %scan3A_258, %mul3A_431 : i32
        %get3A_433 = arith.constant 0 : i32
        %get3A_434 = arith.constant 0 : i32
        %get3A_435 = tpu.memref_slice %arg8[%scan3A_89, %get3A_433, %get3A_434] : memref<2x64x128xf32, #tpu.memory_space<vmem>> -> memref<1x64x128xf32, #tpu.memory_space<vmem>>
        %get3A_436 = tpu.memref_squeeze %get3A_435 : memref<1x64x128xf32, #tpu.memory_space<vmem>> -> memref<64x128xf32, #tpu.memory_space<vmem>>
        %get3A_437 = arith.index_cast %add3A_430 : i32 to index
        %get3A_438 = arith.index_cast %mul3A_432 : i32 to index
        %get3A_439 = tpu.vector_load %get3A_436[%get3A_437, %get3A_438] {strides = array<i32>} : memref<64x128xf32, #tpu.memory_space<vmem>>, vector<16xf32>,
        %mul3A_440 = arith.constant 16 : i32
        %mul3A_441 = arith.muli %scan3A_258, %mul3A_440 : i32
        %get3A_442 = arith.constant 0 : i32
        %get3A_443 = arith.constant 0 : i32
        %get3A_444 = tpu.memref_slice %arg9[%scan3A_90, %get3A_442, %get3A_443] : memref<2x64x128xf32, #tpu.memory_space<vmem>> -> memref<1x64x128xf32, #tpu.memory_space<vmem>>
        %get3A_445 = tpu.memref_squeeze %get3A_444 : memref<1x64x128xf32, #tpu.memory_space<vmem>> -> memref<64x128xf32, #tpu.memory_space<vmem>>
        %get3A_446 = arith.index_cast %add3A_430 : i32 to index
        %get3A_447 = arith.index_cast %mul3A_441 : i32 to index
        %get3A_448 = tpu.vector_load %get3A_445[%get3A_446, %get3A_447] {strides = array<i32>} : memref<64x128xf32, #tpu.memory_space<vmem>>, vector<16xf32>,
        %gather3A_449 = tpu.vector_load_idx %arg7[%add3A_426, %get3A_263] : memref<64x1024xf32, #tpu.memory_space<vmem>>[vector<16xi32>, vector<16xi32>], vector<16xf32>,
        %mul3A_450 = arith.mulf %get3A_439, %get3A_448 : vector<16xf32>
        %mul3A_451 = arith.mulf %mul3A_450, %gather3A_449 : vector<16xf32>
        %add3A_452 = arith.addf %add3A_394, %mul3A_451 : vector<16xf32>
        %add3A_453 = arith.constant 1 : i32
        %add3A_454 = vector.broadcast %add3A_453 : i32 to vector<16xi32>
        %add3A_455 = arith.addi %add3A_426, %add3A_454 : vector<16xi32>
        %mul3A_456 = arith.constant 8 : i32
        %mul3A_457 = arith.muli %scan3A_279, %mul3A_456 : i32
        %add3A_458 = arith.constant 6 : i32
        %add3A_459 = arith.addi %mul3A_457, %add3A_458 : i32
        %mul3A_460 = arith.constant 16 : i32
        %mul3A_461 = arith.muli %scan3A_258, %mul3A_460 : i32
        %get3A_462 = arith.constant 0 : i32
        %get3A_463 = arith.constant 0 : i32
        %get3A_464 = tpu.memref_slice %arg8[%scan3A_89, %get3A_462, %get3A_463] : memref<2x64x128xf32, #tpu.memory_space<vmem>> -> memref<1x64x128xf32, #tpu.memory_space<vmem>>
        %get3A_465 = tpu.memref_squeeze %get3A_464 : memref<1x64x128xf32, #tpu.memory_space<vmem>> -> memref<64x128xf32, #tpu.memory_space<vmem>>
        %get3A_466 = arith.index_cast %add3A_459 : i32 to index
        %get3A_467 = arith.index_cast %mul3A_461 : i32 to index
        %get3A_468 = tpu.vector_load %get3A_465[%get3A_466, %get3A_467] {strides = array<i32>} : memref<64x128xf32, #tpu.memory_space<vmem>>, vector<16xf32>,
        %mul3A_469 = arith.constant 16 : i32
        %mul3A_470 = arith.muli %scan3A_258, %mul3A_469 : i32
        %get3A_471 = arith.constant 0 : i32
        %get3A_472 = arith.constant 0 : i32
        %get3A_473 = tpu.memref_slice %arg9[%scan3A_90, %get3A_471, %get3A_472] : memref<2x64x128xf32, #tpu.memory_space<vmem>> -> memref<1x64x128xf32, #tpu.memory_space<vmem>>
        %get3A_474 = tpu.memref_squeeze %get3A_473 : memref<1x64x128xf32, #tpu.memory_space<vmem>> -> memref<64x128xf32, #tpu.memory_space<vmem>>
        %get3A_475 = arith.index_cast %add3A_459 : i32 to index
        %get3A_476 = arith.index_cast %mul3A_470 : i32 to index
        %get3A_477 = tpu.vector_load %get3A_474[%get3A_475, %get3A_476] {strides = array<i32>} : memref<64x128xf32, #tpu.memory_space<vmem>>, vector<16xf32>,
        %gather3A_478 = tpu.vector_load_idx %arg7[%add3A_455, %get3A_263] : memref<64x1024xf32, #tpu.memory_space<vmem>>[vector<16xi32>, vector<16xi32>], vector<16xf32>,
        %mul3A_479 = arith.mulf %get3A_468, %get3A_477 : vector<16xf32>
        %mul3A_480 = arith.mulf %mul3A_479, %gather3A_478 : vector<16xf32>
        %add3A_481 = arith.addf %add3A_423, %mul3A_480 : vector<16xf32>
        %add3A_482 = arith.constant 1 : i32
        %add3A_483 = vector.broadcast %add3A_482 : i32 to vector<16xi32>
        %add3A_484 = arith.addi %add3A_455, %add3A_483 : vector<16xi32>
        %mul3A_485 = arith.constant 8 : i32
        %mul3A_486 = arith.muli %scan3A_279, %mul3A_485 : i32
        %add3A_487 = arith.constant 7 : i32
        %add3A_488 = arith.addi %mul3A_486, %add3A_487 : i32
        %mul3A_489 = arith.constant 16 : i32
        %mul3A_490 = arith.muli %scan3A_258, %mul3A_489 : i32
        %get3A_491 = arith.constant 0 : i32
        %get3A_492 = arith.constant 0 : i32
        %get3A_493 = tpu.memref_slice %arg8[%scan3A_89, %get3A_491, %get3A_492] : memref<2x64x128xf32, #tpu.memory_space<vmem>> -> memref<1x64x128xf32, #tpu.memory_space<vmem>>
        %get3A_494 = tpu.memref_squeeze %get3A_493 : memref<1x64x128xf32, #tpu.memory_space<vmem>> -> memref<64x128xf32, #tpu.memory_space<vmem>>
        %get3A_495 = arith.index_cast %add3A_488 : i32 to index
        %get3A_496 = arith.index_cast %mul3A_490 : i32 to index
        %get3A_497 = tpu.vector_load %get3A_494[%get3A_495, %get3A_496] {strides = array<i32>} : memref<64x128xf32, #tpu.memory_space<vmem>>, vector<16xf32>,
        %mul3A_498 = arith.constant 16 : i32
        %mul3A_499 = arith.muli %scan3A_258, %mul3A_498 : i32
        %get3A_500 = arith.constant 0 : i32
        %get3A_501 = arith.constant 0 : i32
        %get3A_502 = tpu.memref_slice %arg9[%scan3A_90, %get3A_500, %get3A_501] : memref<2x64x128xf32, #tpu.memory_space<vmem>> -> memref<1x64x128xf32, #tpu.memory_space<vmem>>
        %get3A_503 = tpu.memref_squeeze %get3A_502 : memref<1x64x128xf32, #tpu.memory_space<vmem>> -> memref<64x128xf32, #tpu.memory_space<vmem>>
        %get3A_504 = arith.index_cast %add3A_488 : i32 to index
        %get3A_505 = arith.index_cast %mul3A_499 : i32 to index
        %get3A_506 = tpu.vector_load %get3A_503[%get3A_504, %get3A_505] {strides = array<i32>} : memref<64x128xf32, #tpu.memory_space<vmem>>, vector<16xf32>,
        %gather3A_507 = tpu.vector_load_idx %arg7[%add3A_484, %get3A_263] : memref<64x1024xf32, #tpu.memory_space<vmem>>[vector<16xi32>, vector<16xi32>], vector<16xf32>,
        %mul3A_508 = arith.mulf %get3A_497, %get3A_506 : vector<16xf32>
        %mul3A_509 = arith.mulf %mul3A_508, %gather3A_507 : vector<16xf32>
        %add3A_510 = arith.addf %add3A_452, %mul3A_509 : vector<16xf32>
        %add3A_511 = arith.constant 1 : i32
        %add3A_512 = vector.broadcast %add3A_511 : i32 to vector<16xi32>
        %add3A_513 = arith.addi %add3A_484, %add3A_512 : vector<16xi32>
        scf.yield %add3A_481, %add3A_510, %add3A_513 : vector<16xf32>, vector<16xf32>, vector<16xi32>
      }
      %scan3A_272 = arith.constant 8 : i32
      %add3A_273 = arith.addf %scan3A_271#0, %scan3A_271#1 : vector<16xf32>
      %mul3A_274 = arith.constant 16 : i32
      %mul3A_275 = arith.muli %scan3A_258, %mul3A_274 : i32
      %add3A_276 = arith.constant 0 : i32
      %add3A_277 = arith.addi %add3A_276, %mul3A_275 : i32
      %swap3A = arith.index_cast %add3A_277 : i32 to index
      %swap3A_278 = tpu.vector_load %arg11[%swap3A] {strides = array<i32>} : memref<512xf32, #tpu.memory_space<vmem>>, vector<16xf32>,
      tpu.vector_store %arg11[%swap3A], %add3A_273 {strides = array<i32>} : memref<512xf32, #tpu.memory_space<vmem>>, vector<16xf32>,
    }
    %scan3A_95 = arith.constant 8 : i32
    %add3A_96 = arith.constant 256 : i32
    %add3A_97 = arith.addi %mul3A_2, %add3A_96 : i32
    %dma_start3A_98 = arith.constant 0 : i32
    %dma_start3A_99 = arith.constant 0 : i32
    %dma_start3A_100 = arith.constant 0 : i32
    %dma_start3A_101 = tpu.memref_slice %arg8[%dma_start3A_98, %dma_start3A_99, %dma_start3A_100] : memref<2x64x128xf32, #tpu.memory_space<vmem>> -> memref<1x64x128xf32, #tpu.memory_space<vmem>>
    %dma_start3A_102 = tpu.memref_squeeze %dma_start3A_101 : memref<1x64x128xf32, #tpu.memory_space<vmem>> -> memref<64x128xf32, #tpu.memory_space<vmem>>
    %dma_start3A_103 = arith.constant 0 : i32
    %dma_start3A_104 = tpu.memref_slice %arg2[%dma_start3A_103, %add3A_97] : memref<64x16384xf32, #tpu.memory_space<hbm>> -> memref<64x128xf32, #tpu.memory_space<hbm>>
    %dma_start3A_105 = arith.constant 0 : i32
    %dma_start3A_106 = arith.constant 0 : i32
    %dma_start3A_107 = tpu.memref_slice %arg8[%dma_start3A_98, %dma_start3A_105, %dma_start3A_106] : memref<2x64x128xf32, #tpu.memory_space<vmem>> -> memref<1x64x128xf32, #tpu.memory_space<vmem>>
    %dma_start3A_108 = tpu.memref_squeeze %dma_start3A_107 : memref<1x64x128xf32, #tpu.memory_space<vmem>> -> memref<64x128xf32, #tpu.memory_space<vmem>>
    %dma_start3A_109 = arith.constant 0 : i32
    %dma_start3A_110 = tpu.memref_slice %arg2[%dma_start3A_109, %add3A_97] : memref<64x16384xf32, #tpu.memory_space<hbm>> -> memref<64x128xf32, #tpu.memory_space<hbm>>
    tpu.enqueue_dma source(%dma_start3A_110 : memref<64x128xf32, #tpu.memory_space<hbm>>) target(%dma_start3A_108 : memref<64x128xf32, #tpu.memory_space<vmem>>) target_semaphore(%arg14 : memref<!tpu.dma_semaphore, #tpu.memory_space<semaphore_mem>>)
    %add3A_111 = arith.constant 256 : i32
    %add3A_112 = arith.addi %mul3A_2, %add3A_111 : i32
    %dma_start3A_113 = arith.constant 0 : i32
    %dma_start3A_114 = arith.constant 0 : i32
    %dma_start3A_115 = arith.constant 0 : i32
    %dma_start3A_116 = tpu.memref_slice %arg9[%dma_start3A_113, %dma_start3A_114, %dma_start3A_115] : memref<2x64x128xf32, #tpu.memory_space<vmem>> -> memref<1x64x128xf32, #tpu.memory_space<vmem>>
    %dma_start3A_117 = tpu.memref_squeeze %dma_start3A_116 : memref<1x64x128xf32, #tpu.memory_space<vmem>> -> memref<64x128xf32, #tpu.memory_space<vmem>>
    %dma_start3A_118 = arith.constant 0 : i32
    %dma_start3A_119 = tpu.memref_slice %arg4[%dma_start3A_118, %add3A_112] : memref<64x16384xf32, #tpu.memory_space<hbm>> -> memref<64x128xf32, #tpu.memory_space<hbm>>
    %dma_start3A_120 = arith.constant 0 : i32
    %dma_start3A_121 = arith.constant 0 : i32
    %dma_start3A_122 = tpu.memref_slice %arg9[%dma_start3A_113, %dma_start3A_120, %dma_start3A_121] : memref<2x64x128xf32, #tpu.memory_space<vmem>> -> memref<1x64x128xf32, #tpu.memory_space<vmem>>
    %dma_start3A_123 = tpu.memref_squeeze %dma_start3A_122 : memref<1x64x128xf32, #tpu.memory_space<vmem>> -> memref<64x128xf32, #tpu.memory_space<vmem>>
    %dma_start3A_124 = arith.constant 0 : i32
    %dma_start3A_125 = tpu.memref_slice %arg4[%dma_start3A_124, %add3A_112] : memref<64x16384xf32, #tpu.memory_space<hbm>> -> memref<64x128xf32, #tpu.memory_space<hbm>>
    tpu.enqueue_dma source(%dma_start3A_125 : memref<64x128xf32, #tpu.memory_space<hbm>>) target(%dma_start3A_123 : memref<64x128xf32, #tpu.memory_space<vmem>>) target_semaphore(%arg14 : memref<!tpu.dma_semaphore, #tpu.memory_space<semaphore_mem>>)
    %dma_wait3A_126 = arith.constant 1 : i32
    %dma_wait3A_127 = arith.constant 0 : i32
    %dma_wait3A_128 = arith.constant 0 : i32
    %dma_wait3A_129 = tpu.memref_slice %arg8[%dma_wait3A_126, %dma_wait3A_127, %dma_wait3A_128] : memref<2x64x128xf32, #tpu.memory_space<vmem>> -> memref<1x64x128xf32, #tpu.memory_space<vmem>>
    %dma_wait3A_130 = tpu.memref_squeeze %dma_wait3A_129 : memref<1x64x128xf32, #tpu.memory_space<vmem>> -> memref<64x128xf32, #tpu.memory_space<vmem>>
    %dma_wait3A_131 = arith.constant 0 : i32
    %dma_wait3A_132 = tpu.memref_slice %arg2[%dma_wait3A_131, %add3A_35] : memref<64x16384xf32, #tpu.memory_space<hbm>> -> memref<64x128xf32, #tpu.memory_space<hbm>>
    %dma_wait3A_133 = arith.constant 0 : i32
    %dma_wait3A_134 = arith.constant 0 : i32
    %dma_wait3A_135 = tpu.memref_slice %arg8[%dma_wait3A_126, %dma_wait3A_133, %dma_wait3A_134] : memref<2x64x128xf32, #tpu.memory_space<vmem>> -> memref<1x64x128xf32, #tpu.memory_space<vmem>>
    %dma_wait3A_136 = tpu.memref_squeeze %dma_wait3A_135 : memref<1x64x128xf32, #tpu.memory_space<vmem>> -> memref<64x128xf32, #tpu.memory_space<vmem>>
    %dma_wait3A_137 = arith.constant 0 : i32
    %dma_wait3A_138 = tpu.memref_slice %arg2[%dma_wait3A_137, %add3A_35] : memref<64x16384xf32, #tpu.memory_space<hbm>> -> memref<64x128xf32, #tpu.memory_space<hbm>>
    tpu.wait_dma2 semaphore(%arg15 : memref<!tpu.dma_semaphore, #tpu.memory_space<semaphore_mem>>) src(%dma_wait3A_138 : memref<64x128xf32, #tpu.memory_space<hbm>>) dst(%dma_wait3A_136 : memref<64x128xf32, #tpu.memory_space<vmem>>)
    %dma_wait3A_139 = arith.constant 1 : i32
    %dma_wait3A_140 = arith.constant 0 : i32
    %dma_wait3A_141 = arith.constant 0 : i32
    %dma_wait3A_142 = tpu.memref_slice %arg9[%dma_wait3A_139, %dma_wait3A_140, %dma_wait3A_141] : memref<2x64x128xf32, #tpu.memory_space<vmem>> -> memref<1x64x128xf32, #tpu.memory_space<vmem>>
    %dma_wait3A_143 = tpu.memref_squeeze %dma_wait3A_142 : memref<1x64x128xf32, #tpu.memory_space<vmem>> -> memref<64x128xf32, #tpu.memory_space<vmem>>
    %dma_wait3A_144 = arith.constant 0 : i32
    %dma_wait3A_145 = tpu.memref_slice %arg4[%dma_wait3A_144, %add3A_50] : memref<64x16384xf32, #tpu.memory_space<hbm>> -> memref<64x128xf32, #tpu.memory_space<hbm>>
    %dma_wait3A_146 = arith.constant 0 : i32
    %dma_wait3A_147 = arith.constant 0 : i32
    %dma_wait3A_148 = tpu.memref_slice %arg9[%dma_wait3A_139, %dma_wait3A_146, %dma_wait3A_147] : memref<2x64x128xf32, #tpu.memory_space<vmem>> -> memref<1x64x128xf32, #tpu.memory_space<vmem>>
    %dma_wait3A_149 = tpu.memref_squeeze %dma_wait3A_148 : memref<1x64x128xf32, #tpu.memory_space<vmem>> -> memref<64x128xf32, #tpu.memory_space<vmem>>
    %dma_wait3A_150 = arith.constant 0 : i32
    %dma_wait3A_151 = tpu.memref_slice %arg4[%dma_wait3A_150, %add3A_50] : memref<64x16384xf32, #tpu.memory_space<hbm>> -> memref<64x128xf32, #tpu.memory_space<hbm>>
    tpu.wait_dma2 semaphore(%arg15 : memref<!tpu.dma_semaphore, #tpu.memory_space<semaphore_mem>>) src(%dma_wait3A_151 : memref<64x128xf32, #tpu.memory_space<hbm>>) dst(%dma_wait3A_149 : memref<64x128xf32, #tpu.memory_space<vmem>>)
    %scan3A_152 = arith.constant 0 : i32
    %scan3A_153 = arith.constant 1 : i32
    %scan3A_154 = arith.constant 1 : i32
    %scan3A_155 = arith.constant 0 : i32
    %scan3A_156 = arith.constant 8 : i32
    %scan3A_157 = arith.addi %scan3A_155, %scan3A_156 : i32
    %scan3A_158 = arith.constant 1 : i32
    scf.for %scan3A_258 = %scan3A_155 to %scan3A_157 step %scan3A_158  : i32 {
      %mul3A_259 = arith.constant 16 : i32
      %mul3A_260 = arith.muli %scan3A_258, %mul3A_259 : i32
      %add3A_261 = arith.constant 128 : i32
      %add3A_262 = arith.addi %add3A_261, %mul3A_260 : i32
      %get3A = arith.index_cast %add3A_262 : i32 to index
      %get3A_263 = tpu.vector_load %arg10[%get3A] {strides = array<i32>} : memref<512xi32, #tpu.memory_space<vmem>>, vector<16xi32>,
      %broadcast_in_dim3A = arith.constant 0.000000e+00 : f32
      %broadcast_in_dim3A_264 = vector.broadcast %broadcast_in_dim3A : f32 to vector<16xf32>
      %broadcast_in_dim3A_265 = arith.constant 0 : i32
      %broadcast_in_dim3A_266 = vector.broadcast %broadcast_in_dim3A_265 : i32 to vector<16xi32>
      %scan3A_267 = arith.constant 0 : i32
      %scan3A_268 = arith.constant 8 : i32
      %scan3A_269 = arith.addi %scan3A_267, %scan3A_268 : i32
      %scan3A_270 = arith.constant 1 : i32
      %scan3A_271:3 = scf.for %scan3A_279 = %scan3A_267 to %scan3A_269 step %scan3A_270 iter_args(%scan3A_280 = %broadcast_in_dim3A_264, %scan3A_281 = %broadcast_in_dim3A_264, %scan3A_282 = %broadcast_in_dim3A_266) -> (vector<16xf32>, vector<16xf32>, vector<16xi32>)  : i32 {
        %mul3A_283 = arith.constant 8 : i32
        %mul3A_284 = arith.muli %scan3A_279, %mul3A_283 : i32
        %add3A_285 = arith.constant 0 : i32
        %add3A_286 = arith.addi %mul3A_284, %add3A_285 : i32
        %mul3A_287 = arith.constant 16 : i32
        %mul3A_288 = arith.muli %scan3A_258, %mul3A_287 : i32
        %get3A_289 = arith.constant 0 : i32
        %get3A_290 = arith.constant 0 : i32
        %get3A_291 = tpu.memref_slice %arg8[%scan3A_153, %get3A_289, %get3A_290] : memref<2x64x128xf32, #tpu.memory_space<vmem>> -> memref<1x64x128xf32, #tpu.memory_space<vmem>>
        %get3A_292 = tpu.memref_squeeze %get3A_291 : memref<1x64x128xf32, #tpu.memory_space<vmem>> -> memref<64x128xf32, #tpu.memory_space<vmem>>
        %get3A_293 = arith.index_cast %add3A_286 : i32 to index
        %get3A_294 = arith.index_cast %mul3A_288 : i32 to index
        %get3A_295 = tpu.vector_load %get3A_292[%get3A_293, %get3A_294] {strides = array<i32>} : memref<64x128xf32, #tpu.memory_space<vmem>>, vector<16xf32>,
        %mul3A_296 = arith.constant 16 : i32
        %mul3A_297 = arith.muli %scan3A_258, %mul3A_296 : i32
        %get3A_298 = arith.constant 0 : i32
        %get3A_299 = arith.constant 0 : i32
        %get3A_300 = tpu.memref_slice %arg9[%scan3A_154, %get3A_298, %get3A_299] : memref<2x64x128xf32, #tpu.memory_space<vmem>> -> memref<1x64x128xf32, #tpu.memory_space<vmem>>
        %get3A_301 = tpu.memref_squeeze %get3A_300 : memref<1x64x128xf32, #tpu.memory_space<vmem>> -> memref<64x128xf32, #tpu.memory_space<vmem>>
        %get3A_302 = arith.index_cast %add3A_286 : i32 to index
        %get3A_303 = arith.index_cast %mul3A_297 : i32 to index
        %get3A_304 = tpu.vector_load %get3A_301[%get3A_302, %get3A_303] {strides = array<i32>} : memref<64x128xf32, #tpu.memory_space<vmem>>, vector<16xf32>,
        %gather3A = tpu.vector_load_idx %arg7[%scan3A_282, %get3A_263] : memref<64x1024xf32, #tpu.memory_space<vmem>>[vector<16xi32>, vector<16xi32>], vector<16xf32>,
        %mul3A_305 = arith.mulf %get3A_295, %get3A_304 : vector<16xf32>
        %mul3A_306 = arith.mulf %mul3A_305, %gather3A : vector<16xf32>
        %add3A_307 = arith.addf %scan3A_280, %mul3A_306 : vector<16xf32>
        %add3A_308 = arith.constant 1 : i32
        %add3A_309 = vector.broadcast %add3A_308 : i32 to vector<16xi32>
        %add3A_310 = arith.addi %scan3A_282, %add3A_309 : vector<16xi32>
        %mul3A_311 = arith.constant 8 : i32
        %mul3A_312 = arith.muli %scan3A_279, %mul3A_311 : i32
        %add3A_313 = arith.constant 1 : i32
        %add3A_314 = arith.addi %mul3A_312, %add3A_313 : i32
        %mul3A_315 = arith.constant 16 : i32
        %mul3A_316 = arith.muli %scan3A_258, %mul3A_315 : i32
        %get3A_317 = arith.constant 0 : i32
        %get3A_318 = arith.constant 0 : i32
        %get3A_319 = tpu.memref_slice %arg8[%scan3A_153, %get3A_317, %get3A_318] : memref<2x64x128xf32, #tpu.memory_space<vmem>> -> memref<1x64x128xf32, #tpu.memory_space<vmem>>
        %get3A_320 = tpu.memref_squeeze %get3A_319 : memref<1x64x128xf32, #tpu.memory_space<vmem>> -> memref<64x128xf32, #tpu.memory_space<vmem>>
        %get3A_321 = arith.index_cast %add3A_314 : i32 to index
        %get3A_322 = arith.index_cast %mul3A_316 : i32 to index
        %get3A_323 = tpu.vector_load %get3A_320[%get3A_321, %get3A_322] {strides = array<i32>} : memref<64x128xf32, #tpu.memory_space<vmem>>, vector<16xf32>,
        %mul3A_324 = arith.constant 16 : i32
        %mul3A_325 = arith.muli %scan3A_258, %mul3A_324 : i32
        %get3A_326 = arith.constant 0 : i32
        %get3A_327 = arith.constant 0 : i32
        %get3A_328 = tpu.memref_slice %arg9[%scan3A_154, %get3A_326, %get3A_327] : memref<2x64x128xf32, #tpu.memory_space<vmem>> -> memref<1x64x128xf32, #tpu.memory_space<vmem>>
        %get3A_329 = tpu.memref_squeeze %get3A_328 : memref<1x64x128xf32, #tpu.memory_space<vmem>> -> memref<64x128xf32, #tpu.memory_space<vmem>>
        %get3A_330 = arith.index_cast %add3A_314 : i32 to index
        %get3A_331 = arith.index_cast %mul3A_325 : i32 to index
        %get3A_332 = tpu.vector_load %get3A_329[%get3A_330, %get3A_331] {strides = array<i32>} : memref<64x128xf32, #tpu.memory_space<vmem>>, vector<16xf32>,
        %gather3A_333 = tpu.vector_load_idx %arg7[%add3A_310, %get3A_263] : memref<64x1024xf32, #tpu.memory_space<vmem>>[vector<16xi32>, vector<16xi32>], vector<16xf32>,
        %mul3A_334 = arith.mulf %get3A_323, %get3A_332 : vector<16xf32>
        %mul3A_335 = arith.mulf %mul3A_334, %gather3A_333 : vector<16xf32>
        %add3A_336 = arith.addf %scan3A_281, %mul3A_335 : vector<16xf32>
        %add3A_337 = arith.constant 1 : i32
        %add3A_338 = vector.broadcast %add3A_337 : i32 to vector<16xi32>
        %add3A_339 = arith.addi %add3A_310, %add3A_338 : vector<16xi32>
        %mul3A_340 = arith.constant 8 : i32
        %mul3A_341 = arith.muli %scan3A_279, %mul3A_340 : i32
        %add3A_342 = arith.constant 2 : i32
        %add3A_343 = arith.addi %mul3A_341, %add3A_342 : i32
        %mul3A_344 = arith.constant 16 : i32
        %mul3A_345 = arith.muli %scan3A_258, %mul3A_344 : i32
        %get3A_346 = arith.constant 0 : i32
        %get3A_347 = arith.constant 0 : i32
        %get3A_348 = tpu.memref_slice %arg8[%scan3A_153, %get3A_346, %get3A_347] : memref<2x64x128xf32, #tpu.memory_space<vmem>> -> memref<1x64x128xf32, #tpu.memory_space<vmem>>
        %get3A_349 = tpu.memref_squeeze %get3A_348 : memref<1x64x128xf32, #tpu.memory_space<vmem>> -> memref<64x128xf32, #tpu.memory_space<vmem>>
        %get3A_350 = arith.index_cast %add3A_343 : i32 to index
        %get3A_351 = arith.index_cast %mul3A_345 : i32 to index
        %get3A_352 = tpu.vector_load %get3A_349[%get3A_350, %get3A_351] {strides = array<i32>} : memref<64x128xf32, #tpu.memory_space<vmem>>, vector<16xf32>,
        %mul3A_353 = arith.constant 16 : i32
        %mul3A_354 = arith.muli %scan3A_258, %mul3A_353 : i32
        %get3A_355 = arith.constant 0 : i32
        %get3A_356 = arith.constant 0 : i32
        %get3A_357 = tpu.memref_slice %arg9[%scan3A_154, %get3A_355, %get3A_356] : memref<2x64x128xf32, #tpu.memory_space<vmem>> -> memref<1x64x128xf32, #tpu.memory_space<vmem>>
        %get3A_358 = tpu.memref_squeeze %get3A_357 : memref<1x64x128xf32, #tpu.memory_space<vmem>> -> memref<64x128xf32, #tpu.memory_space<vmem>>
        %get3A_359 = arith.index_cast %add3A_343 : i32 to index
        %get3A_360 = arith.index_cast %mul3A_354 : i32 to index
        %get3A_361 = tpu.vector_load %get3A_358[%get3A_359, %get3A_360] {strides = array<i32>} : memref<64x128xf32, #tpu.memory_space<vmem>>, vector<16xf32>,
        %gather3A_362 = tpu.vector_load_idx %arg7[%add3A_339, %get3A_263] : memref<64x1024xf32, #tpu.memory_space<vmem>>[vector<16xi32>, vector<16xi32>], vector<16xf32>,
        %mul3A_363 = arith.mulf %get3A_352, %get3A_361 : vector<16xf32>
        %mul3A_364 = arith.mulf %mul3A_363, %gather3A_362 : vector<16xf32>
        %add3A_365 = arith.addf %add3A_307, %mul3A_364 : vector<16xf32>
        %add3A_366 = arith.constant 1 : i32
        %add3A_367 = vector.broadcast %add3A_366 : i32 to vector<16xi32>
        %add3A_368 = arith.addi %add3A_339, %add3A_367 : vector<16xi32>
        %mul3A_369 = arith.constant 8 : i32
        %mul3A_370 = arith.muli %scan3A_279, %mul3A_369 : i32
        %add3A_371 = arith.constant 3 : i32
        %add3A_372 = arith.addi %mul3A_370, %add3A_371 : i32
        %mul3A_373 = arith.constant 16 : i32
        %mul3A_374 = arith.muli %scan3A_258, %mul3A_373 : i32
        %get3A_375 = arith.constant 0 : i32
        %get3A_376 = arith.constant 0 : i32
        %get3A_377 = tpu.memref_slice %arg8[%scan3A_153, %get3A_375, %get3A_376] : memref<2x64x128xf32, #tpu.memory_space<vmem>> -> memref<1x64x128xf32, #tpu.memory_space<vmem>>
        %get3A_378 = tpu.memref_squeeze %get3A_377 : memref<1x64x128xf32, #tpu.memory_space<vmem>> -> memref<64x128xf32, #tpu.memory_space<vmem>>
        %get3A_379 = arith.index_cast %add3A_372 : i32 to index
        %get3A_380 = arith.index_cast %mul3A_374 : i32 to index
        %get3A_381 = tpu.vector_load %get3A_378[%get3A_379, %get3A_380] {strides = array<i32>} : memref<64x128xf32, #tpu.memory_space<vmem>>, vector<16xf32>,
        %mul3A_382 = arith.constant 16 : i32
        %mul3A_383 = arith.muli %scan3A_258, %mul3A_382 : i32
        %get3A_384 = arith.constant 0 : i32
        %get3A_385 = arith.constant 0 : i32
        %get3A_386 = tpu.memref_slice %arg9[%scan3A_154, %get3A_384, %get3A_385] : memref<2x64x128xf32, #tpu.memory_space<vmem>> -> memref<1x64x128xf32, #tpu.memory_space<vmem>>
        %get3A_387 = tpu.memref_squeeze %get3A_386 : memref<1x64x128xf32, #tpu.memory_space<vmem>> -> memref<64x128xf32, #tpu.memory_space<vmem>>
        %get3A_388 = arith.index_cast %add3A_372 : i32 to index
        %get3A_389 = arith.index_cast %mul3A_383 : i32 to index
        %get3A_390 = tpu.vector_load %get3A_387[%get3A_388, %get3A_389] {strides = array<i32>} : memref<64x128xf32, #tpu.memory_space<vmem>>, vector<16xf32>,
        %gather3A_391 = tpu.vector_load_idx %arg7[%add3A_368, %get3A_263] : memref<64x1024xf32, #tpu.memory_space<vmem>>[vector<16xi32>, vector<16xi32>], vector<16xf32>,
        %mul3A_392 = arith.mulf %get3A_381, %get3A_390 : vector<16xf32>
        %mul3A_393 = arith.mulf %mul3A_392, %gather3A_391 : vector<16xf32>
        %add3A_394 = arith.addf %add3A_336, %mul3A_393 : vector<16xf32>
        %add3A_395 = arith.constant 1 : i32
        %add3A_396 = vector.broadcast %add3A_395 : i32 to vector<16xi32>
        %add3A_397 = arith.addi %add3A_368, %add3A_396 : vector<16xi32>
        %mul3A_398 = arith.constant 8 : i32
        %mul3A_399 = arith.muli %scan3A_279, %mul3A_398 : i32
        %add3A_400 = arith.constant 4 : i32
        %add3A_401 = arith.addi %mul3A_399, %add3A_400 : i32
        %mul3A_402 = arith.constant 16 : i32
        %mul3A_403 = arith.muli %scan3A_258, %mul3A_402 : i32
        %get3A_404 = arith.constant 0 : i32
        %get3A_405 = arith.constant 0 : i32
        %get3A_406 = tpu.memref_slice %arg8[%scan3A_153, %get3A_404, %get3A_405] : memref<2x64x128xf32, #tpu.memory_space<vmem>> -> memref<1x64x128xf32, #tpu.memory_space<vmem>>
        %get3A_407 = tpu.memref_squeeze %get3A_406 : memref<1x64x128xf32, #tpu.memory_space<vmem>> -> memref<64x128xf32, #tpu.memory_space<vmem>>
        %get3A_408 = arith.index_cast %add3A_401 : i32 to index
        %get3A_409 = arith.index_cast %mul3A_403 : i32 to index
        %get3A_410 = tpu.vector_load %get3A_407[%get3A_408, %get3A_409] {strides = array<i32>} : memref<64x128xf32, #tpu.memory_space<vmem>>, vector<16xf32>,
        %mul3A_411 = arith.constant 16 : i32
        %mul3A_412 = arith.muli %scan3A_258, %mul3A_411 : i32
        %get3A_413 = arith.constant 0 : i32
        %get3A_414 = arith.constant 0 : i32
        %get3A_415 = tpu.memref_slice %arg9[%scan3A_154, %get3A_413, %get3A_414] : memref<2x64x128xf32, #tpu.memory_space<vmem>> -> memref<1x64x128xf32, #tpu.memory_space<vmem>>
        %get3A_416 = tpu.memref_squeeze %get3A_415 : memref<1x64x128xf32, #tpu.memory_space<vmem>> -> memref<64x128xf32, #tpu.memory_space<vmem>>
        %get3A_417 = arith.index_cast %add3A_401 : i32 to index
        %get3A_418 = arith.index_cast %mul3A_412 : i32 to index
        %get3A_419 = tpu.vector_load %get3A_416[%get3A_417, %get3A_418] {strides = array<i32>} : memref<64x128xf32, #tpu.memory_space<vmem>>, vector<16xf32>,
        %gather3A_420 = tpu.vector_load_idx %arg7[%add3A_397, %get3A_263] : memref<64x1024xf32, #tpu.memory_space<vmem>>[vector<16xi32>, vector<16xi32>], vector<16xf32>,
        %mul3A_421 = arith.mulf %get3A_410, %get3A_419 : vector<16xf32>
        %mul3A_422 = arith.mulf %mul3A_421, %gather3A_420 : vector<16xf32>
        %add3A_423 = arith.addf %add3A_365, %mul3A_422 : vector<16xf32>
        %add3A_424 = arith.constant 1 : i32
        %add3A_425 = vector.broadcast %add3A_424 : i32 to vector<16xi32>
        %add3A_426 = arith.addi %add3A_397, %add3A_425 : vector<16xi32>
        %mul3A_427 = arith.constant 8 : i32
        %mul3A_428 = arith.muli %scan3A_279, %mul3A_427 : i32
        %add3A_429 = arith.constant 5 : i32
        %add3A_430 = arith.addi %mul3A_428, %add3A_429 : i32
        %mul3A_431 = arith.constant 16 : i32
        %mul3A_432 = arith.muli %scan3A_258, %mul3A_431 : i32
        %get3A_433 = arith.constant 0 : i32
        %get3A_434 = arith.constant 0 : i32
        %get3A_435 = tpu.memref_slice %arg8[%scan3A_153, %get3A_433, %get3A_434] : memref<2x64x128xf32, #tpu.memory_space<vmem>> -> memref<1x64x128xf32, #tpu.memory_space<vmem>>
        %get3A_436 = tpu.memref_squeeze %get3A_435 : memref<1x64x128xf32, #tpu.memory_space<vmem>> -> memref<64x128xf32, #tpu.memory_space<vmem>>
        %get3A_437 = arith.index_cast %add3A_430 : i32 to index
        %get3A_438 = arith.index_cast %mul3A_432 : i32 to index
        %get3A_439 = tpu.vector_load %get3A_436[%get3A_437, %get3A_438] {strides = array<i32>} : memref<64x128xf32, #tpu.memory_space<vmem>>, vector<16xf32>,
        %mul3A_440 = arith.constant 16 : i32
        %mul3A_441 = arith.muli %scan3A_258, %mul3A_440 : i32
        %get3A_442 = arith.constant 0 : i32
        %get3A_443 = arith.constant 0 : i32
        %get3A_444 = tpu.memref_slice %arg9[%scan3A_154, %get3A_442, %get3A_443] : memref<2x64x128xf32, #tpu.memory_space<vmem>> -> memref<1x64x128xf32, #tpu.memory_space<vmem>>
        %get3A_445 = tpu.memref_squeeze %get3A_444 : memref<1x64x128xf32, #tpu.memory_space<vmem>> -> memref<64x128xf32, #tpu.memory_space<vmem>>
        %get3A_446 = arith.index_cast %add3A_430 : i32 to index
        %get3A_447 = arith.index_cast %mul3A_441 : i32 to index
        %get3A_448 = tpu.vector_load %get3A_445[%get3A_446, %get3A_447] {strides = array<i32>} : memref<64x128xf32, #tpu.memory_space<vmem>>, vector<16xf32>,
        %gather3A_449 = tpu.vector_load_idx %arg7[%add3A_426, %get3A_263] : memref<64x1024xf32, #tpu.memory_space<vmem>>[vector<16xi32>, vector<16xi32>], vector<16xf32>,
        %mul3A_450 = arith.mulf %get3A_439, %get3A_448 : vector<16xf32>
        %mul3A_451 = arith.mulf %mul3A_450, %gather3A_449 : vector<16xf32>
        %add3A_452 = arith.addf %add3A_394, %mul3A_451 : vector<16xf32>
        %add3A_453 = arith.constant 1 : i32
        %add3A_454 = vector.broadcast %add3A_453 : i32 to vector<16xi32>
        %add3A_455 = arith.addi %add3A_426, %add3A_454 : vector<16xi32>
        %mul3A_456 = arith.constant 8 : i32
        %mul3A_457 = arith.muli %scan3A_279, %mul3A_456 : i32
        %add3A_458 = arith.constant 6 : i32
        %add3A_459 = arith.addi %mul3A_457, %add3A_458 : i32
        %mul3A_460 = arith.constant 16 : i32
        %mul3A_461 = arith.muli %scan3A_258, %mul3A_460 : i32
        %get3A_462 = arith.constant 0 : i32
        %get3A_463 = arith.constant 0 : i32
        %get3A_464 = tpu.memref_slice %arg8[%scan3A_153, %get3A_462, %get3A_463] : memref<2x64x128xf32, #tpu.memory_space<vmem>> -> memref<1x64x128xf32, #tpu.memory_space<vmem>>
        %get3A_465 = tpu.memref_squeeze %get3A_464 : memref<1x64x128xf32, #tpu.memory_space<vmem>> -> memref<64x128xf32, #tpu.memory_space<vmem>>
        %get3A_466 = arith.index_cast %add3A_459 : i32 to index
        %get3A_467 = arith.index_cast %mul3A_461 : i32 to index
        %get3A_468 = tpu.vector_load %get3A_465[%get3A_466, %get3A_467] {strides = array<i32>} : memref<64x128xf32, #tpu.memory_space<vmem>>, vector<16xf32>,
        %mul3A_469 = arith.constant 16 : i32
        %mul3A_470 = arith.muli %scan3A_258, %mul3A_469 : i32
        %get3A_471 = arith.constant 0 : i32
        %get3A_472 = arith.constant 0 : i32
        %get3A_473 = tpu.memref_slice %arg9[%scan3A_154, %get3A_471, %get3A_472] : memref<2x64x128xf32, #tpu.memory_space<vmem>> -> memref<1x64x128xf32, #tpu.memory_space<vmem>>
        %get3A_474 = tpu.memref_squeeze %get3A_473 : memref<1x64x128xf32, #tpu.memory_space<vmem>> -> memref<64x128xf32, #tpu.memory_space<vmem>>
        %get3A_475 = arith.index_cast %add3A_459 : i32 to index
        %get3A_476 = arith.index_cast %mul3A_470 : i32 to index
        %get3A_477 = tpu.vector_load %get3A_474[%get3A_475, %get3A_476] {strides = array<i32>} : memref<64x128xf32, #tpu.memory_space<vmem>>, vector<16xf32>,
        %gather3A_478 = tpu.vector_load_idx %arg7[%add3A_455, %get3A_263] : memref<64x1024xf32, #tpu.memory_space<vmem>>[vector<16xi32>, vector<16xi32>], vector<16xf32>,
        %mul3A_479 = arith.mulf %get3A_468, %get3A_477 : vector<16xf32>
        %mul3A_480 = arith.mulf %mul3A_479, %gather3A_478 : vector<16xf32>
        %add3A_481 = arith.addf %add3A_423, %mul3A_480 : vector<16xf32>
        %add3A_482 = arith.constant 1 : i32
        %add3A_483 = vector.broadcast %add3A_482 : i32 to vector<16xi32>
        %add3A_484 = arith.addi %add3A_455, %add3A_483 : vector<16xi32>
        %mul3A_485 = arith.constant 8 : i32
        %mul3A_486 = arith.muli %scan3A_279, %mul3A_485 : i32
        %add3A_487 = arith.constant 7 : i32
        %add3A_488 = arith.addi %mul3A_486, %add3A_487 : i32
        %mul3A_489 = arith.constant 16 : i32
        %mul3A_490 = arith.muli %scan3A_258, %mul3A_489 : i32
        %get3A_491 = arith.constant 0 : i32
        %get3A_492 = arith.constant 0 : i32
        %get3A_493 = tpu.memref_slice %arg8[%scan3A_153, %get3A_491, %get3A_492] : memref<2x64x128xf32, #tpu.memory_space<vmem>> -> memref<1x64x128xf32, #tpu.memory_space<vmem>>
        %get3A_494 = tpu.memref_squeeze %get3A_493 : memref<1x64x128xf32, #tpu.memory_space<vmem>> -> memref<64x128xf32, #tpu.memory_space<vmem>>
        %get3A_495 = arith.index_cast %add3A_488 : i32 to index
        %get3A_496 = arith.index_cast %mul3A_490 : i32 to index
        %get3A_497 = tpu.vector_load %get3A_494[%get3A_495, %get3A_496] {strides = array<i32>} : memref<64x128xf32, #tpu.memory_space<vmem>>, vector<16xf32>,
        %mul3A_498 = arith.constant 16 : i32
        %mul3A_499 = arith.muli %scan3A_258, %mul3A_498 : i32
        %get3A_500 = arith.constant 0 : i32
        %get3A_501 = arith.constant 0 : i32
        %get3A_502 = tpu.memref_slice %arg9[%scan3A_154, %get3A_500, %get3A_501] : memref<2x64x128xf32, #tpu.memory_space<vmem>> -> memref<1x64x128xf32, #tpu.memory_space<vmem>>
        %get3A_503 = tpu.memref_squeeze %get3A_502 : memref<1x64x128xf32, #tpu.memory_space<vmem>> -> memref<64x128xf32, #tpu.memory_space<vmem>>
        %get3A_504 = arith.index_cast %add3A_488 : i32 to index
        %get3A_505 = arith.index_cast %mul3A_499 : i32 to index
        %get3A_506 = tpu.vector_load %get3A_503[%get3A_504, %get3A_505] {strides = array<i32>} : memref<64x128xf32, #tpu.memory_space<vmem>>, vector<16xf32>,
        %gather3A_507 = tpu.vector_load_idx %arg7[%add3A_484, %get3A_263] : memref<64x1024xf32, #tpu.memory_space<vmem>>[vector<16xi32>, vector<16xi32>], vector<16xf32>,
        %mul3A_508 = arith.mulf %get3A_497, %get3A_506 : vector<16xf32>
        %mul3A_509 = arith.mulf %mul3A_508, %gather3A_507 : vector<16xf32>
        %add3A_510 = arith.addf %add3A_452, %mul3A_509 : vector<16xf32>
        %add3A_511 = arith.constant 1 : i32
        %add3A_512 = vector.broadcast %add3A_511 : i32 to vector<16xi32>
        %add3A_513 = arith.addi %add3A_484, %add3A_512 : vector<16xi32>
        scf.yield %add3A_481, %add3A_510, %add3A_513 : vector<16xf32>, vector<16xf32>, vector<16xi32>
      }
      %scan3A_272 = arith.constant 8 : i32
      %add3A_273 = arith.addf %scan3A_271#0, %scan3A_271#1 : vector<16xf32>
      %mul3A_274 = arith.constant 16 : i32
      %mul3A_275 = arith.muli %scan3A_258, %mul3A_274 : i32
      %add3A_276 = arith.constant 128 : i32
      %add3A_277 = arith.addi %add3A_276, %mul3A_275 : i32
      %swap3A = arith.index_cast %add3A_277 : i32 to index
      %swap3A_278 = tpu.vector_load %arg11[%swap3A] {strides = array<i32>} : memref<512xf32, #tpu.memory_space<vmem>>, vector<16xf32>,
      tpu.vector_store %arg11[%swap3A], %add3A_273 {strides = array<i32>} : memref<512xf32, #tpu.memory_space<vmem>>, vector<16xf32>,
    }
    %scan3A_159 = arith.constant 8 : i32
    %add3A_160 = arith.constant 384 : i32
    %add3A_161 = arith.addi %mul3A_2, %add3A_160 : i32
    %dma_start3A_162 = arith.constant 1 : i32
    %dma_start3A_163 = arith.constant 0 : i32
    %dma_start3A_164 = arith.constant 0 : i32
    %dma_start3A_165 = tpu.memref_slice %arg8[%dma_start3A_162, %dma_start3A_163, %dma_start3A_164] : memref<2x64x128xf32, #tpu.memory_space<vmem>> -> memref<1x64x128xf32, #tpu.memory_space<vmem>>
    %dma_start3A_166 = tpu.memref_squeeze %dma_start3A_165 : memref<1x64x128xf32, #tpu.memory_space<vmem>> -> memref<64x128xf32, #tpu.memory_space<vmem>>
    %dma_start3A_167 = arith.constant 0 : i32
    %dma_start3A_168 = tpu.memref_slice %arg2[%dma_start3A_167, %add3A_161] : memref<64x16384xf32, #tpu.memory_space<hbm>> -> memref<64x128xf32, #tpu.memory_space<hbm>>
    %dma_start3A_169 = arith.constant 0 : i32
    %dma_start3A_170 = arith.constant 0 : i32
    %dma_start3A_171 = tpu.memref_slice %arg8[%dma_start3A_162, %dma_start3A_169, %dma_start3A_170] : memref<2x64x128xf32, #tpu.memory_space<vmem>> -> memref<1x64x128xf32, #tpu.memory_space<vmem>>
    %dma_start3A_172 = tpu.memref_squeeze %dma_start3A_171 : memref<1x64x128xf32, #tpu.memory_space<vmem>> -> memref<64x128xf32, #tpu.memory_space<vmem>>
    %dma_start3A_173 = arith.constant 0 : i32
    %dma_start3A_174 = tpu.memref_slice %arg2[%dma_start3A_173, %add3A_161] : memref<64x16384xf32, #tpu.memory_space<hbm>> -> memref<64x128xf32, #tpu.memory_space<hbm>>
    tpu.enqueue_dma source(%dma_start3A_174 : memref<64x128xf32, #tpu.memory_space<hbm>>) target(%dma_start3A_172 : memref<64x128xf32, #tpu.memory_space<vmem>>) target_semaphore(%arg15 : memref<!tpu.dma_semaphore, #tpu.memory_space<semaphore_mem>>)
    %add3A_175 = arith.constant 384 : i32
    %add3A_176 = arith.addi %mul3A_2, %add3A_175 : i32
    %dma_start3A_177 = arith.constant 1 : i32
    %dma_start3A_178 = arith.constant 0 : i32
    %dma_start3A_179 = arith.constant 0 : i32
    %dma_start3A_180 = tpu.memref_slice %arg9[%dma_start3A_177, %dma_start3A_178, %dma_start3A_179] : memref<2x64x128xf32, #tpu.memory_space<vmem>> -> memref<1x64x128xf32, #tpu.memory_space<vmem>>
    %dma_start3A_181 = tpu.memref_squeeze %dma_start3A_180 : memref<1x64x128xf32, #tpu.memory_space<vmem>> -> memref<64x128xf32, #tpu.memory_space<vmem>>
    %dma_start3A_182 = arith.constant 0 : i32
    %dma_start3A_183 = tpu.memref_slice %arg4[%dma_start3A_182, %add3A_176] : memref<64x16384xf32, #tpu.memory_space<hbm>> -> memref<64x128xf32, #tpu.memory_space<hbm>>
    %dma_start3A_184 = arith.constant 0 : i32
    %dma_start3A_185 = arith.constant 0 : i32
    %dma_start3A_186 = tpu.memref_slice %arg9[%dma_start3A_177, %dma_start3A_184, %dma_start3A_185] : memref<2x64x128xf32, #tpu.memory_space<vmem>> -> memref<1x64x128xf32, #tpu.memory_space<vmem>>
    %dma_start3A_187 = tpu.memref_squeeze %dma_start3A_186 : memref<1x64x128xf32, #tpu.memory_space<vmem>> -> memref<64x128xf32, #tpu.memory_space<vmem>>
    %dma_start3A_188 = arith.constant 0 : i32
    %dma_start3A_189 = tpu.memref_slice %arg4[%dma_start3A_188, %add3A_176] : memref<64x16384xf32, #tpu.memory_space<hbm>> -> memref<64x128xf32, #tpu.memory_space<hbm>>
    tpu.enqueue_dma source(%dma_start3A_189 : memref<64x128xf32, #tpu.memory_space<hbm>>) target(%dma_start3A_187 : memref<64x128xf32, #tpu.memory_space<vmem>>) target_semaphore(%arg15 : memref<!tpu.dma_semaphore, #tpu.memory_space<semaphore_mem>>)
    %dma_wait3A_190 = arith.constant 0 : i32
    %dma_wait3A_191 = arith.constant 0 : i32
    %dma_wait3A_192 = arith.constant 0 : i32
    %dma_wait3A_193 = tpu.memref_slice %arg8[%dma_wait3A_190, %dma_wait3A_191, %dma_wait3A_192] : memref<2x64x128xf32, #tpu.memory_space<vmem>> -> memref<1x64x128xf32, #tpu.memory_space<vmem>>
    %dma_wait3A_194 = tpu.memref_squeeze %dma_wait3A_193 : memref<1x64x128xf32, #tpu.memory_space<vmem>> -> memref<64x128xf32, #tpu.memory_space<vmem>>
    %dma_wait3A_195 = arith.constant 0 : i32
    %dma_wait3A_196 = tpu.memref_slice %arg2[%dma_wait3A_195, %add3A_97] : memref<64x16384xf32, #tpu.memory_space<hbm>> -> memref<64x128xf32, #tpu.memory_space<hbm>>
    %dma_wait3A_197 = arith.constant 0 : i32
    %dma_wait3A_198 = arith.constant 0 : i32
    %dma_wait3A_199 = tpu.memref_slice %arg8[%dma_wait3A_190, %dma_wait3A_197, %dma_wait3A_198] : memref<2x64x128xf32, #tpu.memory_space<vmem>> -> memref<1x64x128xf32, #tpu.memory_space<vmem>>
    %dma_wait3A_200 = tpu.memref_squeeze %dma_wait3A_199 : memref<1x64x128xf32, #tpu.memory_space<vmem>> -> memref<64x128xf32, #tpu.memory_space<vmem>>
    %dma_wait3A_201 = arith.constant 0 : i32
    %dma_wait3A_202 = tpu.memref_slice %arg2[%dma_wait3A_201, %add3A_97] : memref<64x16384xf32, #tpu.memory_space<hbm>> -> memref<64x128xf32, #tpu.memory_space<hbm>>
    tpu.wait_dma2 semaphore(%arg14 : memref<!tpu.dma_semaphore, #tpu.memory_space<semaphore_mem>>) src(%dma_wait3A_202 : memref<64x128xf32, #tpu.memory_space<hbm>>) dst(%dma_wait3A_200 : memref<64x128xf32, #tpu.memory_space<vmem>>)
    %dma_wait3A_203 = arith.constant 0 : i32
    %dma_wait3A_204 = arith.constant 0 : i32
    %dma_wait3A_205 = arith.constant 0 : i32
    %dma_wait3A_206 = tpu.memref_slice %arg9[%dma_wait3A_203, %dma_wait3A_204, %dma_wait3A_205] : memref<2x64x128xf32, #tpu.memory_space<vmem>> -> memref<1x64x128xf32, #tpu.memory_space<vmem>>
    %dma_wait3A_207 = tpu.memref_squeeze %dma_wait3A_206 : memref<1x64x128xf32, #tpu.memory_space<vmem>> -> memref<64x128xf32, #tpu.memory_space<vmem>>
    %dma_wait3A_208 = arith.constant 0 : i32
    %dma_wait3A_209 = tpu.memref_slice %arg4[%dma_wait3A_208, %add3A_112] : memref<64x16384xf32, #tpu.memory_space<hbm>> -> memref<64x128xf32, #tpu.memory_space<hbm>>
    %dma_wait3A_210 = arith.constant 0 : i32
    %dma_wait3A_211 = arith.constant 0 : i32
    %dma_wait3A_212 = tpu.memref_slice %arg9[%dma_wait3A_203, %dma_wait3A_210, %dma_wait3A_211] : memref<2x64x128xf32, #tpu.memory_space<vmem>> -> memref<1x64x128xf32, #tpu.memory_space<vmem>>
    %dma_wait3A_213 = tpu.memref_squeeze %dma_wait3A_212 : memref<1x64x128xf32, #tpu.memory_space<vmem>> -> memref<64x128xf32, #tpu.memory_space<vmem>>
    %dma_wait3A_214 = arith.constant 0 : i32
    %dma_wait3A_215 = tpu.memref_slice %arg4[%dma_wait3A_214, %add3A_112] : memref<64x16384xf32, #tpu.memory_space<hbm>> -> memref<64x128xf32, #tpu.memory_space<hbm>>
    tpu.wait_dma2 semaphore(%arg14 : memref<!tpu.dma_semaphore, #tpu.memory_space<semaphore_mem>>) src(%dma_wait3A_215 : memref<64x128xf32, #tpu.memory_space<hbm>>) dst(%dma_wait3A_213 : memref<64x128xf32, #tpu.memory_space<vmem>>)
    %scan3A_216 = arith.constant 0 : i32
    %scan3A_217 = arith.constant 0 : i32
    %scan3A_218 = arith.constant 0 : i32
    %scan3A_219 = arith.constant 0 : i32
    %scan3A_220 = arith.constant 8 : i32
    %scan3A_221 = arith.addi %scan3A_219, %scan3A_220 : i32
    %scan3A_222 = arith.constant 1 : i32
    scf.for %scan3A_258 = %scan3A_219 to %scan3A_221 step %scan3A_222  : i32 {
      %mul3A_259 = arith.constant 16 : i32
      %mul3A_260 = arith.muli %scan3A_258, %mul3A_259 : i32
      %add3A_261 = arith.constant 256 : i32
      %add3A_262 = arith.addi %add3A_261, %mul3A_260 : i32
      %get3A = arith.index_cast %add3A_262 : i32 to index
      %get3A_263 = tpu.vector_load %arg10[%get3A] {strides = array<i32>} : memref<512xi32, #tpu.memory_space<vmem>>, vector<16xi32>,
      %broadcast_in_dim3A = arith.constant 0.000000e+00 : f32
      %broadcast_in_dim3A_264 = vector.broadcast %broadcast_in_dim3A : f32 to vector<16xf32>
      %broadcast_in_dim3A_265 = arith.constant 0 : i32
      %broadcast_in_dim3A_266 = vector.broadcast %broadcast_in_dim3A_265 : i32 to vector<16xi32>
      %scan3A_267 = arith.constant 0 : i32
      %scan3A_268 = arith.constant 8 : i32
      %scan3A_269 = arith.addi %scan3A_267, %scan3A_268 : i32
      %scan3A_270 = arith.constant 1 : i32
      %scan3A_271:3 = scf.for %scan3A_279 = %scan3A_267 to %scan3A_269 step %scan3A_270 iter_args(%scan3A_280 = %broadcast_in_dim3A_264, %scan3A_281 = %broadcast_in_dim3A_264, %scan3A_282 = %broadcast_in_dim3A_266) -> (vector<16xf32>, vector<16xf32>, vector<16xi32>)  : i32 {
        %mul3A_283 = arith.constant 8 : i32
        %mul3A_284 = arith.muli %scan3A_279, %mul3A_283 : i32
        %add3A_285 = arith.constant 0 : i32
        %add3A_286 = arith.addi %mul3A_284, %add3A_285 : i32
        %mul3A_287 = arith.constant 16 : i32
        %mul3A_288 = arith.muli %scan3A_258, %mul3A_287 : i32
        %get3A_289 = arith.constant 0 : i32
        %get3A_290 = arith.constant 0 : i32
        %get3A_291 = tpu.memref_slice %arg8[%scan3A_217, %get3A_289, %get3A_290] : memref<2x64x128xf32, #tpu.memory_space<vmem>> -> memref<1x64x128xf32, #tpu.memory_space<vmem>>
        %get3A_292 = tpu.memref_squeeze %get3A_291 : memref<1x64x128xf32, #tpu.memory_space<vmem>> -> memref<64x128xf32, #tpu.memory_space<vmem>>
        %get3A_293 = arith.index_cast %add3A_286 : i32 to index
        %get3A_294 = arith.index_cast %mul3A_288 : i32 to index
        %get3A_295 = tpu.vector_load %get3A_292[%get3A_293, %get3A_294] {strides = array<i32>} : memref<64x128xf32, #tpu.memory_space<vmem>>, vector<16xf32>,
        %mul3A_296 = arith.constant 16 : i32
        %mul3A_297 = arith.muli %scan3A_258, %mul3A_296 : i32
        %get3A_298 = arith.constant 0 : i32
        %get3A_299 = arith.constant 0 : i32
        %get3A_300 = tpu.memref_slice %arg9[%scan3A_218, %get3A_298, %get3A_299] : memref<2x64x128xf32, #tpu.memory_space<vmem>> -> memref<1x64x128xf32, #tpu.memory_space<vmem>>
        %get3A_301 = tpu.memref_squeeze %get3A_300 : memref<1x64x128xf32, #tpu.memory_space<vmem>> -> memref<64x128xf32, #tpu.memory_space<vmem>>
        %get3A_302 = arith.index_cast %add3A_286 : i32 to index
        %get3A_303 = arith.index_cast %mul3A_297 : i32 to index
        %get3A_304 = tpu.vector_load %get3A_301[%get3A_302, %get3A_303] {strides = array<i32>} : memref<64x128xf32, #tpu.memory_space<vmem>>, vector<16xf32>,
        %gather3A = tpu.vector_load_idx %arg7[%scan3A_282, %get3A_263] : memref<64x1024xf32, #tpu.memory_space<vmem>>[vector<16xi32>, vector<16xi32>], vector<16xf32>,
        %mul3A_305 = arith.mulf %get3A_295, %get3A_304 : vector<16xf32>
        %mul3A_306 = arith.mulf %mul3A_305, %gather3A : vector<16xf32>
        %add3A_307 = arith.addf %scan3A_280, %mul3A_306 : vector<16xf32>
        %add3A_308 = arith.constant 1 : i32
        %add3A_309 = vector.broadcast %add3A_308 : i32 to vector<16xi32>
        %add3A_310 = arith.addi %scan3A_282, %add3A_309 : vector<16xi32>
        %mul3A_311 = arith.constant 8 : i32
        %mul3A_312 = arith.muli %scan3A_279, %mul3A_311 : i32
        %add3A_313 = arith.constant 1 : i32
        %add3A_314 = arith.addi %mul3A_312, %add3A_313 : i32
        %mul3A_315 = arith.constant 16 : i32
        %mul3A_316 = arith.muli %scan3A_258, %mul3A_315 : i32
        %get3A_317 = arith.constant 0 : i32
        %get3A_318 = arith.constant 0 : i32
        %get3A_319 = tpu.memref_slice %arg8[%scan3A_217, %get3A_317, %get3A_318] : memref<2x64x128xf32, #tpu.memory_space<vmem>> -> memref<1x64x128xf32, #tpu.memory_space<vmem>>
        %get3A_320 = tpu.memref_squeeze %get3A_319 : memref<1x64x128xf32, #tpu.memory_space<vmem>> -> memref<64x128xf32, #tpu.memory_space<vmem>>
        %get3A_321 = arith.index_cast %add3A_314 : i32 to index
        %get3A_322 = arith.index_cast %mul3A_316 : i32 to index
        %get3A_323 = tpu.vector_load %get3A_320[%get3A_321, %get3A_322] {strides = array<i32>} : memref<64x128xf32, #tpu.memory_space<vmem>>, vector<16xf32>,
        %mul3A_324 = arith.constant 16 : i32
        %mul3A_325 = arith.muli %scan3A_258, %mul3A_324 : i32
        %get3A_326 = arith.constant 0 : i32
        %get3A_327 = arith.constant 0 : i32
        %get3A_328 = tpu.memref_slice %arg9[%scan3A_218, %get3A_326, %get3A_327] : memref<2x64x128xf32, #tpu.memory_space<vmem>> -> memref<1x64x128xf32, #tpu.memory_space<vmem>>
        %get3A_329 = tpu.memref_squeeze %get3A_328 : memref<1x64x128xf32, #tpu.memory_space<vmem>> -> memref<64x128xf32, #tpu.memory_space<vmem>>
        %get3A_330 = arith.index_cast %add3A_314 : i32 to index
        %get3A_331 = arith.index_cast %mul3A_325 : i32 to index
        %get3A_332 = tpu.vector_load %get3A_329[%get3A_330, %get3A_331] {strides = array<i32>} : memref<64x128xf32, #tpu.memory_space<vmem>>, vector<16xf32>,
        %gather3A_333 = tpu.vector_load_idx %arg7[%add3A_310, %get3A_263] : memref<64x1024xf32, #tpu.memory_space<vmem>>[vector<16xi32>, vector<16xi32>], vector<16xf32>,
        %mul3A_334 = arith.mulf %get3A_323, %get3A_332 : vector<16xf32>
        %mul3A_335 = arith.mulf %mul3A_334, %gather3A_333 : vector<16xf32>
        %add3A_336 = arith.addf %scan3A_281, %mul3A_335 : vector<16xf32>
        %add3A_337 = arith.constant 1 : i32
        %add3A_338 = vector.broadcast %add3A_337 : i32 to vector<16xi32>
        %add3A_339 = arith.addi %add3A_310, %add3A_338 : vector<16xi32>
        %mul3A_340 = arith.constant 8 : i32
        %mul3A_341 = arith.muli %scan3A_279, %mul3A_340 : i32
        %add3A_342 = arith.constant 2 : i32
        %add3A_343 = arith.addi %mul3A_341, %add3A_342 : i32
        %mul3A_344 = arith.constant 16 : i32
        %mul3A_345 = arith.muli %scan3A_258, %mul3A_344 : i32
        %get3A_346 = arith.constant 0 : i32
        %get3A_347 = arith.constant 0 : i32
        %get3A_348 = tpu.memref_slice %arg8[%scan3A_217, %get3A_346, %get3A_347] : memref<2x64x128xf32, #tpu.memory_space<vmem>> -> memref<1x64x128xf32, #tpu.memory_space<vmem>>
        %get3A_349 = tpu.memref_squeeze %get3A_348 : memref<1x64x128xf32, #tpu.memory_space<vmem>> -> memref<64x128xf32, #tpu.memory_space<vmem>>
        %get3A_350 = arith.index_cast %add3A_343 : i32 to index
        %get3A_351 = arith.index_cast %mul3A_345 : i32 to index
        %get3A_352 = tpu.vector_load %get3A_349[%get3A_350, %get3A_351] {strides = array<i32>} : memref<64x128xf32, #tpu.memory_space<vmem>>, vector<16xf32>,
        %mul3A_353 = arith.constant 16 : i32
        %mul3A_354 = arith.muli %scan3A_258, %mul3A_353 : i32
        %get3A_355 = arith.constant 0 : i32
        %get3A_356 = arith.constant 0 : i32
        %get3A_357 = tpu.memref_slice %arg9[%scan3A_218, %get3A_355, %get3A_356] : memref<2x64x128xf32, #tpu.memory_space<vmem>> -> memref<1x64x128xf32, #tpu.memory_space<vmem>>
        %get3A_358 = tpu.memref_squeeze %get3A_357 : memref<1x64x128xf32, #tpu.memory_space<vmem>> -> memref<64x128xf32, #tpu.memory_space<vmem>>
        %get3A_359 = arith.index_cast %add3A_343 : i32 to index
        %get3A_360 = arith.index_cast %mul3A_354 : i32 to index
        %get3A_361 = tpu.vector_load %get3A_358[%get3A_359, %get3A_360] {strides = array<i32>} : memref<64x128xf32, #tpu.memory_space<vmem>>, vector<16xf32>,
        %gather3A_362 = tpu.vector_load_idx %arg7[%add3A_339, %get3A_263] : memref<64x1024xf32, #tpu.memory_space<vmem>>[vector<16xi32>, vector<16xi32>], vector<16xf32>,
        %mul3A_363 = arith.mulf %get3A_352, %get3A_361 : vector<16xf32>
        %mul3A_364 = arith.mulf %mul3A_363, %gather3A_362 : vector<16xf32>
        %add3A_365 = arith.addf %add3A_307, %mul3A_364 : vector<16xf32>
        %add3A_366 = arith.constant 1 : i32
        %add3A_367 = vector.broadcast %add3A_366 : i32 to vector<16xi32>
        %add3A_368 = arith.addi %add3A_339, %add3A_367 : vector<16xi32>
        %mul3A_369 = arith.constant 8 : i32
        %mul3A_370 = arith.muli %scan3A_279, %mul3A_369 : i32
        %add3A_371 = arith.constant 3 : i32
        %add3A_372 = arith.addi %mul3A_370, %add3A_371 : i32
        %mul3A_373 = arith.constant 16 : i32
        %mul3A_374 = arith.muli %scan3A_258, %mul3A_373 : i32
        %get3A_375 = arith.constant 0 : i32
        %get3A_376 = arith.constant 0 : i32
        %get3A_377 = tpu.memref_slice %arg8[%scan3A_217, %get3A_375, %get3A_376] : memref<2x64x128xf32, #tpu.memory_space<vmem>> -> memref<1x64x128xf32, #tpu.memory_space<vmem>>
        %get3A_378 = tpu.memref_squeeze %get3A_377 : memref<1x64x128xf32, #tpu.memory_space<vmem>> -> memref<64x128xf32, #tpu.memory_space<vmem>>
        %get3A_379 = arith.index_cast %add3A_372 : i32 to index
        %get3A_380 = arith.index_cast %mul3A_374 : i32 to index
        %get3A_381 = tpu.vector_load %get3A_378[%get3A_379, %get3A_380] {strides = array<i32>} : memref<64x128xf32, #tpu.memory_space<vmem>>, vector<16xf32>,
        %mul3A_382 = arith.constant 16 : i32
        %mul3A_383 = arith.muli %scan3A_258, %mul3A_382 : i32
        %get3A_384 = arith.constant 0 : i32
        %get3A_385 = arith.constant 0 : i32
        %get3A_386 = tpu.memref_slice %arg9[%scan3A_218, %get3A_384, %get3A_385] : memref<2x64x128xf32, #tpu.memory_space<vmem>> -> memref<1x64x128xf32, #tpu.memory_space<vmem>>
        %get3A_387 = tpu.memref_squeeze %get3A_386 : memref<1x64x128xf32, #tpu.memory_space<vmem>> -> memref<64x128xf32, #tpu.memory_space<vmem>>
        %get3A_388 = arith.index_cast %add3A_372 : i32 to index
        %get3A_389 = arith.index_cast %mul3A_383 : i32 to index
        %get3A_390 = tpu.vector_load %get3A_387[%get3A_388, %get3A_389] {strides = array<i32>} : memref<64x128xf32, #tpu.memory_space<vmem>>, vector<16xf32>,
        %gather3A_391 = tpu.vector_load_idx %arg7[%add3A_368, %get3A_263] : memref<64x1024xf32, #tpu.memory_space<vmem>>[vector<16xi32>, vector<16xi32>], vector<16xf32>,
        %mul3A_392 = arith.mulf %get3A_381, %get3A_390 : vector<16xf32>
        %mul3A_393 = arith.mulf %mul3A_392, %gather3A_391 : vector<16xf32>
        %add3A_394 = arith.addf %add3A_336, %mul3A_393 : vector<16xf32>
        %add3A_395 = arith.constant 1 : i32
        %add3A_396 = vector.broadcast %add3A_395 : i32 to vector<16xi32>
        %add3A_397 = arith.addi %add3A_368, %add3A_396 : vector<16xi32>
        %mul3A_398 = arith.constant 8 : i32
        %mul3A_399 = arith.muli %scan3A_279, %mul3A_398 : i32
        %add3A_400 = arith.constant 4 : i32
        %add3A_401 = arith.addi %mul3A_399, %add3A_400 : i32
        %mul3A_402 = arith.constant 16 : i32
        %mul3A_403 = arith.muli %scan3A_258, %mul3A_402 : i32
        %get3A_404 = arith.constant 0 : i32
        %get3A_405 = arith.constant 0 : i32
        %get3A_406 = tpu.memref_slice %arg8[%scan3A_217, %get3A_404, %get3A_405] : memref<2x64x128xf32, #tpu.memory_space<vmem>> -> memref<1x64x128xf32, #tpu.memory_space<vmem>>
        %get3A_407 = tpu.memref_squeeze %get3A_406 : memref<1x64x128xf32, #tpu.memory_space<vmem>> -> memref<64x128xf32, #tpu.memory_space<vmem>>
        %get3A_408 = arith.index_cast %add3A_401 : i32 to index
        %get3A_409 = arith.index_cast %mul3A_403 : i32 to index
        %get3A_410 = tpu.vector_load %get3A_407[%get3A_408, %get3A_409] {strides = array<i32>} : memref<64x128xf32, #tpu.memory_space<vmem>>, vector<16xf32>,
        %mul3A_411 = arith.constant 16 : i32
        %mul3A_412 = arith.muli %scan3A_258, %mul3A_411 : i32
        %get3A_413 = arith.constant 0 : i32
        %get3A_414 = arith.constant 0 : i32
        %get3A_415 = tpu.memref_slice %arg9[%scan3A_218, %get3A_413, %get3A_414] : memref<2x64x128xf32, #tpu.memory_space<vmem>> -> memref<1x64x128xf32, #tpu.memory_space<vmem>>
        %get3A_416 = tpu.memref_squeeze %get3A_415 : memref<1x64x128xf32, #tpu.memory_space<vmem>> -> memref<64x128xf32, #tpu.memory_space<vmem>>
        %get3A_417 = arith.index_cast %add3A_401 : i32 to index
        %get3A_418 = arith.index_cast %mul3A_412 : i32 to index
        %get3A_419 = tpu.vector_load %get3A_416[%get3A_417, %get3A_418] {strides = array<i32>} : memref<64x128xf32, #tpu.memory_space<vmem>>, vector<16xf32>,
        %gather3A_420 = tpu.vector_load_idx %arg7[%add3A_397, %get3A_263] : memref<64x1024xf32, #tpu.memory_space<vmem>>[vector<16xi32>, vector<16xi32>], vector<16xf32>,
        %mul3A_421 = arith.mulf %get3A_410, %get3A_419 : vector<16xf32>
        %mul3A_422 = arith.mulf %mul3A_421, %gather3A_420 : vector<16xf32>
        %add3A_423 = arith.addf %add3A_365, %mul3A_422 : vector<16xf32>
        %add3A_424 = arith.constant 1 : i32
        %add3A_425 = vector.broadcast %add3A_424 : i32 to vector<16xi32>
        %add3A_426 = arith.addi %add3A_397, %add3A_425 : vector<16xi32>
        %mul3A_427 = arith.constant 8 : i32
        %mul3A_428 = arith.muli %scan3A_279, %mul3A_427 : i32
        %add3A_429 = arith.constant 5 : i32
        %add3A_430 = arith.addi %mul3A_428, %add3A_429 : i32
        %mul3A_431 = arith.constant 16 : i32
        %mul3A_432 = arith.muli %scan3A_258, %mul3A_431 : i32
        %get3A_433 = arith.constant 0 : i32
        %get3A_434 = arith.constant 0 : i32
        %get3A_435 = tpu.memref_slice %arg8[%scan3A_217, %get3A_433, %get3A_434] : memref<2x64x128xf32, #tpu.memory_space<vmem>> -> memref<1x64x128xf32, #tpu.memory_space<vmem>>
        %get3A_436 = tpu.memref_squeeze %get3A_435 : memref<1x64x128xf32, #tpu.memory_space<vmem>> -> memref<64x128xf32, #tpu.memory_space<vmem>>
        %get3A_437 = arith.index_cast %add3A_430 : i32 to index
        %get3A_438 = arith.index_cast %mul3A_432 : i32 to index
        %get3A_439 = tpu.vector_load %get3A_436[%get3A_437, %get3A_438] {strides = array<i32>} : memref<64x128xf32, #tpu.memory_space<vmem>>, vector<16xf32>,
        %mul3A_440 = arith.constant 16 : i32
        %mul3A_441 = arith.muli %scan3A_258, %mul3A_440 : i32
        %get3A_442 = arith.constant 0 : i32
        %get3A_443 = arith.constant 0 : i32
        %get3A_444 = tpu.memref_slice %arg9[%scan3A_218, %get3A_442, %get3A_443] : memref<2x64x128xf32, #tpu.memory_space<vmem>> -> memref<1x64x128xf32, #tpu.memory_space<vmem>>
        %get3A_445 = tpu.memref_squeeze %get3A_444 : memref<1x64x128xf32, #tpu.memory_space<vmem>> -> memref<64x128xf32, #tpu.memory_space<vmem>>
        %get3A_446 = arith.index_cast %add3A_430 : i32 to index
        %get3A_447 = arith.index_cast %mul3A_441 : i32 to index
        %get3A_448 = tpu.vector_load %get3A_445[%get3A_446, %get3A_447] {strides = array<i32>} : memref<64x128xf32, #tpu.memory_space<vmem>>, vector<16xf32>,
        %gather3A_449 = tpu.vector_load_idx %arg7[%add3A_426, %get3A_263] : memref<64x1024xf32, #tpu.memory_space<vmem>>[vector<16xi32>, vector<16xi32>], vector<16xf32>,
        %mul3A_450 = arith.mulf %get3A_439, %get3A_448 : vector<16xf32>
        %mul3A_451 = arith.mulf %mul3A_450, %gather3A_449 : vector<16xf32>
        %add3A_452 = arith.addf %add3A_394, %mul3A_451 : vector<16xf32>
        %add3A_453 = arith.constant 1 : i32
        %add3A_454 = vector.broadcast %add3A_453 : i32 to vector<16xi32>
        %add3A_455 = arith.addi %add3A_426, %add3A_454 : vector<16xi32>
        %mul3A_456 = arith.constant 8 : i32
        %mul3A_457 = arith.muli %scan3A_279, %mul3A_456 : i32
        %add3A_458 = arith.constant 6 : i32
        %add3A_459 = arith.addi %mul3A_457, %add3A_458 : i32
        %mul3A_460 = arith.constant 16 : i32
        %mul3A_461 = arith.muli %scan3A_258, %mul3A_460 : i32
        %get3A_462 = arith.constant 0 : i32
        %get3A_463 = arith.constant 0 : i32
        %get3A_464 = tpu.memref_slice %arg8[%scan3A_217, %get3A_462, %get3A_463] : memref<2x64x128xf32, #tpu.memory_space<vmem>> -> memref<1x64x128xf32, #tpu.memory_space<vmem>>
        %get3A_465 = tpu.memref_squeeze %get3A_464 : memref<1x64x128xf32, #tpu.memory_space<vmem>> -> memref<64x128xf32, #tpu.memory_space<vmem>>
        %get3A_466 = arith.index_cast %add3A_459 : i32 to index
        %get3A_467 = arith.index_cast %mul3A_461 : i32 to index
        %get3A_468 = tpu.vector_load %get3A_465[%get3A_466, %get3A_467] {strides = array<i32>} : memref<64x128xf32, #tpu.memory_space<vmem>>, vector<16xf32>,
        %mul3A_469 = arith.constant 16 : i32
        %mul3A_470 = arith.muli %scan3A_258, %mul3A_469 : i32
        %get3A_471 = arith.constant 0 : i32
        %get3A_472 = arith.constant 0 : i32
        %get3A_473 = tpu.memref_slice %arg9[%scan3A_218, %get3A_471, %get3A_472] : memref<2x64x128xf32, #tpu.memory_space<vmem>> -> memref<1x64x128xf32, #tpu.memory_space<vmem>>
        %get3A_474 = tpu.memref_squeeze %get3A_473 : memref<1x64x128xf32, #tpu.memory_space<vmem>> -> memref<64x128xf32, #tpu.memory_space<vmem>>
        %get3A_475 = arith.index_cast %add3A_459 : i32 to index
        %get3A_476 = arith.index_cast %mul3A_470 : i32 to index
        %get3A_477 = tpu.vector_load %get3A_474[%get3A_475, %get3A_476] {strides = array<i32>} : memref<64x128xf32, #tpu.memory_space<vmem>>, vector<16xf32>,
        %gather3A_478 = tpu.vector_load_idx %arg7[%add3A_455, %get3A_263] : memref<64x1024xf32, #tpu.memory_space<vmem>>[vector<16xi32>, vector<16xi32>], vector<16xf32>,
        %mul3A_479 = arith.mulf %get3A_468, %get3A_477 : vector<16xf32>
        %mul3A_480 = arith.mulf %mul3A_479, %gather3A_478 : vector<16xf32>
        %add3A_481 = arith.addf %add3A_423, %mul3A_480 : vector<16xf32>
        %add3A_482 = arith.constant 1 : i32
        %add3A_483 = vector.broadcast %add3A_482 : i32 to vector<16xi32>
        %add3A_484 = arith.addi %add3A_455, %add3A_483 : vector<16xi32>
        %mul3A_485 = arith.constant 8 : i32
        %mul3A_486 = arith.muli %scan3A_279, %mul3A_485 : i32
        %add3A_487 = arith.constant 7 : i32
        %add3A_488 = arith.addi %mul3A_486, %add3A_487 : i32
        %mul3A_489 = arith.constant 16 : i32
        %mul3A_490 = arith.muli %scan3A_258, %mul3A_489 : i32
        %get3A_491 = arith.constant 0 : i32
        %get3A_492 = arith.constant 0 : i32
        %get3A_493 = tpu.memref_slice %arg8[%scan3A_217, %get3A_491, %get3A_492] : memref<2x64x128xf32, #tpu.memory_space<vmem>> -> memref<1x64x128xf32, #tpu.memory_space<vmem>>
        %get3A_494 = tpu.memref_squeeze %get3A_493 : memref<1x64x128xf32, #tpu.memory_space<vmem>> -> memref<64x128xf32, #tpu.memory_space<vmem>>
        %get3A_495 = arith.index_cast %add3A_488 : i32 to index
        %get3A_496 = arith.index_cast %mul3A_490 : i32 to index
        %get3A_497 = tpu.vector_load %get3A_494[%get3A_495, %get3A_496] {strides = array<i32>} : memref<64x128xf32, #tpu.memory_space<vmem>>, vector<16xf32>,
        %mul3A_498 = arith.constant 16 : i32
        %mul3A_499 = arith.muli %scan3A_258, %mul3A_498 : i32
        %get3A_500 = arith.constant 0 : i32
        %get3A_501 = arith.constant 0 : i32
        %get3A_502 = tpu.memref_slice %arg9[%scan3A_218, %get3A_500, %get3A_501] : memref<2x64x128xf32, #tpu.memory_space<vmem>> -> memref<1x64x128xf32, #tpu.memory_space<vmem>>
        %get3A_503 = tpu.memref_squeeze %get3A_502 : memref<1x64x128xf32, #tpu.memory_space<vmem>> -> memref<64x128xf32, #tpu.memory_space<vmem>>
        %get3A_504 = arith.index_cast %add3A_488 : i32 to index
        %get3A_505 = arith.index_cast %mul3A_499 : i32 to index
        %get3A_506 = tpu.vector_load %get3A_503[%get3A_504, %get3A_505] {strides = array<i32>} : memref<64x128xf32, #tpu.memory_space<vmem>>, vector<16xf32>,
        %gather3A_507 = tpu.vector_load_idx %arg7[%add3A_484, %get3A_263] : memref<64x1024xf32, #tpu.memory_space<vmem>>[vector<16xi32>, vector<16xi32>], vector<16xf32>,
        %mul3A_508 = arith.mulf %get3A_497, %get3A_506 : vector<16xf32>
        %mul3A_509 = arith.mulf %mul3A_508, %gather3A_507 : vector<16xf32>
        %add3A_510 = arith.addf %add3A_452, %mul3A_509 : vector<16xf32>
        %add3A_511 = arith.constant 1 : i32
        %add3A_512 = vector.broadcast %add3A_511 : i32 to vector<16xi32>
        %add3A_513 = arith.addi %add3A_484, %add3A_512 : vector<16xi32>
        scf.yield %add3A_481, %add3A_510, %add3A_513 : vector<16xf32>, vector<16xf32>, vector<16xi32>
      }
      %scan3A_272 = arith.constant 8 : i32
      %add3A_273 = arith.addf %scan3A_271#0, %scan3A_271#1 : vector<16xf32>
      %mul3A_274 = arith.constant 16 : i32
      %mul3A_275 = arith.muli %scan3A_258, %mul3A_274 : i32
      %add3A_276 = arith.constant 256 : i32
      %add3A_277 = arith.addi %add3A_276, %mul3A_275 : i32
      %swap3A = arith.index_cast %add3A_277 : i32 to index
      %swap3A_278 = tpu.vector_load %arg11[%swap3A] {strides = array<i32>} : memref<512xf32, #tpu.memory_space<vmem>>, vector<16xf32>,
      tpu.vector_store %arg11[%swap3A], %add3A_273 {strides = array<i32>} : memref<512xf32, #tpu.memory_space<vmem>>, vector<16xf32>,
    }
    %scan3A_223 = arith.constant 8 : i32
    %dma_wait3A_224 = arith.constant 1 : i32
    %dma_wait3A_225 = arith.constant 0 : i32
    %dma_wait3A_226 = arith.constant 0 : i32
    %dma_wait3A_227 = tpu.memref_slice %arg8[%dma_wait3A_224, %dma_wait3A_225, %dma_wait3A_226] : memref<2x64x128xf32, #tpu.memory_space<vmem>> -> memref<1x64x128xf32, #tpu.memory_space<vmem>>
    %dma_wait3A_228 = tpu.memref_squeeze %dma_wait3A_227 : memref<1x64x128xf32, #tpu.memory_space<vmem>> -> memref<64x128xf32, #tpu.memory_space<vmem>>
    %dma_wait3A_229 = arith.constant 0 : i32
    %dma_wait3A_230 = tpu.memref_slice %arg2[%dma_wait3A_229, %add3A_161] : memref<64x16384xf32, #tpu.memory_space<hbm>> -> memref<64x128xf32, #tpu.memory_space<hbm>>
    %dma_wait3A_231 = arith.constant 0 : i32
    %dma_wait3A_232 = arith.constant 0 : i32
    %dma_wait3A_233 = tpu.memref_slice %arg8[%dma_wait3A_224, %dma_wait3A_231, %dma_wait3A_232] : memref<2x64x128xf32, #tpu.memory_space<vmem>> -> memref<1x64x128xf32, #tpu.memory_space<vmem>>
    %dma_wait3A_234 = tpu.memref_squeeze %dma_wait3A_233 : memref<1x64x128xf32, #tpu.memory_space<vmem>> -> memref<64x128xf32, #tpu.memory_space<vmem>>
    %dma_wait3A_235 = arith.constant 0 : i32
    %dma_wait3A_236 = tpu.memref_slice %arg2[%dma_wait3A_235, %add3A_161] : memref<64x16384xf32, #tpu.memory_space<hbm>> -> memref<64x128xf32, #tpu.memory_space<hbm>>
    tpu.wait_dma2 semaphore(%arg15 : memref<!tpu.dma_semaphore, #tpu.memory_space<semaphore_mem>>) src(%dma_wait3A_236 : memref<64x128xf32, #tpu.memory_space<hbm>>) dst(%dma_wait3A_234 : memref<64x128xf32, #tpu.memory_space<vmem>>)
    %dma_wait3A_237 = arith.constant 1 : i32
    %dma_wait3A_238 = arith.constant 0 : i32
    %dma_wait3A_239 = arith.constant 0 : i32
    %dma_wait3A_240 = tpu.memref_slice %arg9[%dma_wait3A_237, %dma_wait3A_238, %dma_wait3A_239] : memref<2x64x128xf32, #tpu.memory_space<vmem>> -> memref<1x64x128xf32, #tpu.memory_space<vmem>>
    %dma_wait3A_241 = tpu.memref_squeeze %dma_wait3A_240 : memref<1x64x128xf32, #tpu.memory_space<vmem>> -> memref<64x128xf32, #tpu.memory_space<vmem>>
    %dma_wait3A_242 = arith.constant 0 : i32
    %dma_wait3A_243 = tpu.memref_slice %arg4[%dma_wait3A_242, %add3A_176] : memref<64x16384xf32, #tpu.memory_space<hbm>> -> memref<64x128xf32, #tpu.memory_space<hbm>>
    %dma_wait3A_244 = arith.constant 0 : i32
    %dma_wait3A_245 = arith.constant 0 : i32
    %dma_wait3A_246 = tpu.memref_slice %arg9[%dma_wait3A_237, %dma_wait3A_244, %dma_wait3A_245] : memref<2x64x128xf32, #tpu.memory_space<vmem>> -> memref<1x64x128xf32, #tpu.memory_space<vmem>>
    %dma_wait3A_247 = tpu.memref_squeeze %dma_wait3A_246 : memref<1x64x128xf32, #tpu.memory_space<vmem>> -> memref<64x128xf32, #tpu.memory_space<vmem>>
    %dma_wait3A_248 = arith.constant 0 : i32
    %dma_wait3A_249 = tpu.memref_slice %arg4[%dma_wait3A_248, %add3A_176] : memref<64x16384xf32, #tpu.memory_space<hbm>> -> memref<64x128xf32, #tpu.memory_space<hbm>>
    tpu.wait_dma2 semaphore(%arg15 : memref<!tpu.dma_semaphore, #tpu.memory_space<semaphore_mem>>) src(%dma_wait3A_249 : memref<64x128xf32, #tpu.memory_space<hbm>>) dst(%dma_wait3A_247 : memref<64x128xf32, #tpu.memory_space<vmem>>)
    %scan3A_250 = arith.constant 0 : i32
    %scan3A_251 = arith.constant 1 : i32
    %scan3A_252 = arith.constant 1 : i32
    %scan3A_253 = arith.constant 0 : i32
    %scan3A_254 = arith.constant 8 : i32
    %scan3A_255 = arith.addi %scan3A_253, %scan3A_254 : i32
    %scan3A_256 = arith.constant 1 : i32
    scf.for %scan3A_258 = %scan3A_253 to %scan3A_255 step %scan3A_256  : i32 {
      %mul3A_259 = arith.constant 16 : i32
      %mul3A_260 = arith.muli %scan3A_258, %mul3A_259 : i32
      %add3A_261 = arith.constant 384 : i32
      %add3A_262 = arith.addi %add3A_261, %mul3A_260 : i32
      %get3A = arith.index_cast %add3A_262 : i32 to index
      %get3A_263 = tpu.vector_load %arg10[%get3A] {strides = array<i32>} : memref<512xi32, #tpu.memory_space<vmem>>, vector<16xi32>,
      %broadcast_in_dim3A = arith.constant 0.000000e+00 : f32
      %broadcast_in_dim3A_264 = vector.broadcast %broadcast_in_dim3A : f32 to vector<16xf32>
      %broadcast_in_dim3A_265 = arith.constant 0 : i32
      %broadcast_in_dim3A_266 = vector.broadcast %broadcast_in_dim3A_265 : i32 to vector<16xi32>
      %scan3A_267 = arith.constant 0 : i32
      %scan3A_268 = arith.constant 8 : i32
      %scan3A_269 = arith.addi %scan3A_267, %scan3A_268 : i32
      %scan3A_270 = arith.constant 1 : i32
      %scan3A_271:3 = scf.for %scan3A_279 = %scan3A_267 to %scan3A_269 step %scan3A_270 iter_args(%scan3A_280 = %broadcast_in_dim3A_264, %scan3A_281 = %broadcast_in_dim3A_264, %scan3A_282 = %broadcast_in_dim3A_266) -> (vector<16xf32>, vector<16xf32>, vector<16xi32>)  : i32 {
        %mul3A_283 = arith.constant 8 : i32
        %mul3A_284 = arith.muli %scan3A_279, %mul3A_283 : i32
        %add3A_285 = arith.constant 0 : i32
        %add3A_286 = arith.addi %mul3A_284, %add3A_285 : i32
        %mul3A_287 = arith.constant 16 : i32
        %mul3A_288 = arith.muli %scan3A_258, %mul3A_287 : i32
        %get3A_289 = arith.constant 0 : i32
        %get3A_290 = arith.constant 0 : i32
        %get3A_291 = tpu.memref_slice %arg8[%scan3A_251, %get3A_289, %get3A_290] : memref<2x64x128xf32, #tpu.memory_space<vmem>> -> memref<1x64x128xf32, #tpu.memory_space<vmem>>
        %get3A_292 = tpu.memref_squeeze %get3A_291 : memref<1x64x128xf32, #tpu.memory_space<vmem>> -> memref<64x128xf32, #tpu.memory_space<vmem>>
        %get3A_293 = arith.index_cast %add3A_286 : i32 to index
        %get3A_294 = arith.index_cast %mul3A_288 : i32 to index
        %get3A_295 = tpu.vector_load %get3A_292[%get3A_293, %get3A_294] {strides = array<i32>} : memref<64x128xf32, #tpu.memory_space<vmem>>, vector<16xf32>,
        %mul3A_296 = arith.constant 16 : i32
        %mul3A_297 = arith.muli %scan3A_258, %mul3A_296 : i32
        %get3A_298 = arith.constant 0 : i32
        %get3A_299 = arith.constant 0 : i32
        %get3A_300 = tpu.memref_slice %arg9[%scan3A_252, %get3A_298, %get3A_299] : memref<2x64x128xf32, #tpu.memory_space<vmem>> -> memref<1x64x128xf32, #tpu.memory_space<vmem>>
        %get3A_301 = tpu.memref_squeeze %get3A_300 : memref<1x64x128xf32, #tpu.memory_space<vmem>> -> memref<64x128xf32, #tpu.memory_space<vmem>>
        %get3A_302 = arith.index_cast %add3A_286 : i32 to index
        %get3A_303 = arith.index_cast %mul3A_297 : i32 to index
        %get3A_304 = tpu.vector_load %get3A_301[%get3A_302, %get3A_303] {strides = array<i32>} : memref<64x128xf32, #tpu.memory_space<vmem>>, vector<16xf32>,
        %gather3A = tpu.vector_load_idx %arg7[%scan3A_282, %get3A_263] : memref<64x1024xf32, #tpu.memory_space<vmem>>[vector<16xi32>, vector<16xi32>], vector<16xf32>,
        %mul3A_305 = arith.mulf %get3A_295, %get3A_304 : vector<16xf32>
        %mul3A_306 = arith.mulf %mul3A_305, %gather3A : vector<16xf32>
        %add3A_307 = arith.addf %scan3A_280, %mul3A_306 : vector<16xf32>
        %add3A_308 = arith.constant 1 : i32
        %add3A_309 = vector.broadcast %add3A_308 : i32 to vector<16xi32>
        %add3A_310 = arith.addi %scan3A_282, %add3A_309 : vector<16xi32>
        %mul3A_311 = arith.constant 8 : i32
        %mul3A_312 = arith.muli %scan3A_279, %mul3A_311 : i32
        %add3A_313 = arith.constant 1 : i32
        %add3A_314 = arith.addi %mul3A_312, %add3A_313 : i32
        %mul3A_315 = arith.constant 16 : i32
        %mul3A_316 = arith.muli %scan3A_258, %mul3A_315 : i32
        %get3A_317 = arith.constant 0 : i32
        %get3A_318 = arith.constant 0 : i32
        %get3A_319 = tpu.memref_slice %arg8[%scan3A_251, %get3A_317, %get3A_318] : memref<2x64x128xf32, #tpu.memory_space<vmem>> -> memref<1x64x128xf32, #tpu.memory_space<vmem>>
        %get3A_320 = tpu.memref_squeeze %get3A_319 : memref<1x64x128xf32, #tpu.memory_space<vmem>> -> memref<64x128xf32, #tpu.memory_space<vmem>>
        %get3A_321 = arith.index_cast %add3A_314 : i32 to index
        %get3A_322 = arith.index_cast %mul3A_316 : i32 to index
        %get3A_323 = tpu.vector_load %get3A_320[%get3A_321, %get3A_322] {strides = array<i32>} : memref<64x128xf32, #tpu.memory_space<vmem>>, vector<16xf32>,
        %mul3A_324 = arith.constant 16 : i32
        %mul3A_325 = arith.muli %scan3A_258, %mul3A_324 : i32
        %get3A_326 = arith.constant 0 : i32
        %get3A_327 = arith.constant 0 : i32
        %get3A_328 = tpu.memref_slice %arg9[%scan3A_252, %get3A_326, %get3A_327] : memref<2x64x128xf32, #tpu.memory_space<vmem>> -> memref<1x64x128xf32, #tpu.memory_space<vmem>>
        %get3A_329 = tpu.memref_squeeze %get3A_328 : memref<1x64x128xf32, #tpu.memory_space<vmem>> -> memref<64x128xf32, #tpu.memory_space<vmem>>
        %get3A_330 = arith.index_cast %add3A_314 : i32 to index
        %get3A_331 = arith.index_cast %mul3A_325 : i32 to index
        %get3A_332 = tpu.vector_load %get3A_329[%get3A_330, %get3A_331] {strides = array<i32>} : memref<64x128xf32, #tpu.memory_space<vmem>>, vector<16xf32>,
        %gather3A_333 = tpu.vector_load_idx %arg7[%add3A_310, %get3A_263] : memref<64x1024xf32, #tpu.memory_space<vmem>>[vector<16xi32>, vector<16xi32>], vector<16xf32>,
        %mul3A_334 = arith.mulf %get3A_323, %get3A_332 : vector<16xf32>
        %mul3A_335 = arith.mulf %mul3A_334, %gather3A_333 : vector<16xf32>
        %add3A_336 = arith.addf %scan3A_281, %mul3A_335 : vector<16xf32>
        %add3A_337 = arith.constant 1 : i32
        %add3A_338 = vector.broadcast %add3A_337 : i32 to vector<16xi32>
        %add3A_339 = arith.addi %add3A_310, %add3A_338 : vector<16xi32>
        %mul3A_340 = arith.constant 8 : i32
        %mul3A_341 = arith.muli %scan3A_279, %mul3A_340 : i32
        %add3A_342 = arith.constant 2 : i32
        %add3A_343 = arith.addi %mul3A_341, %add3A_342 : i32
        %mul3A_344 = arith.constant 16 : i32
        %mul3A_345 = arith.muli %scan3A_258, %mul3A_344 : i32
        %get3A_346 = arith.constant 0 : i32
        %get3A_347 = arith.constant 0 : i32
        %get3A_348 = tpu.memref_slice %arg8[%scan3A_251, %get3A_346, %get3A_347] : memref<2x64x128xf32, #tpu.memory_space<vmem>> -> memref<1x64x128xf32, #tpu.memory_space<vmem>>
        %get3A_349 = tpu.memref_squeeze %get3A_348 : memref<1x64x128xf32, #tpu.memory_space<vmem>> -> memref<64x128xf32, #tpu.memory_space<vmem>>
        %get3A_350 = arith.index_cast %add3A_343 : i32 to index
        %get3A_351 = arith.index_cast %mul3A_345 : i32 to index
        %get3A_352 = tpu.vector_load %get3A_349[%get3A_350, %get3A_351] {strides = array<i32>} : memref<64x128xf32, #tpu.memory_space<vmem>>, vector<16xf32>,
        %mul3A_353 = arith.constant 16 : i32
        %mul3A_354 = arith.muli %scan3A_258, %mul3A_353 : i32
        %get3A_355 = arith.constant 0 : i32
        %get3A_356 = arith.constant 0 : i32
        %get3A_357 = tpu.memref_slice %arg9[%scan3A_252, %get3A_355, %get3A_356] : memref<2x64x128xf32, #tpu.memory_space<vmem>> -> memref<1x64x128xf32, #tpu.memory_space<vmem>>
        %get3A_358 = tpu.memref_squeeze %get3A_357 : memref<1x64x128xf32, #tpu.memory_space<vmem>> -> memref<64x128xf32, #tpu.memory_space<vmem>>
        %get3A_359 = arith.index_cast %add3A_343 : i32 to index
        %get3A_360 = arith.index_cast %mul3A_354 : i32 to index
        %get3A_361 = tpu.vector_load %get3A_358[%get3A_359, %get3A_360] {strides = array<i32>} : memref<64x128xf32, #tpu.memory_space<vmem>>, vector<16xf32>,
        %gather3A_362 = tpu.vector_load_idx %arg7[%add3A_339, %get3A_263] : memref<64x1024xf32, #tpu.memory_space<vmem>>[vector<16xi32>, vector<16xi32>], vector<16xf32>,
        %mul3A_363 = arith.mulf %get3A_352, %get3A_361 : vector<16xf32>
        %mul3A_364 = arith.mulf %mul3A_363, %gather3A_362 : vector<16xf32>
        %add3A_365 = arith.addf %add3A_307, %mul3A_364 : vector<16xf32>
        %add3A_366 = arith.constant 1 : i32
        %add3A_367 = vector.broadcast %add3A_366 : i32 to vector<16xi32>
        %add3A_368 = arith.addi %add3A_339, %add3A_367 : vector<16xi32>
        %mul3A_369 = arith.constant 8 : i32
        %mul3A_370 = arith.muli %scan3A_279, %mul3A_369 : i32
        %add3A_371 = arith.constant 3 : i32
        %add3A_372 = arith.addi %mul3A_370, %add3A_371 : i32
        %mul3A_373 = arith.constant 16 : i32
        %mul3A_374 = arith.muli %scan3A_258, %mul3A_373 : i32
        %get3A_375 = arith.constant 0 : i32
        %get3A_376 = arith.constant 0 : i32
        %get3A_377 = tpu.memref_slice %arg8[%scan3A_251, %get3A_375, %get3A_376] : memref<2x64x128xf32, #tpu.memory_space<vmem>> -> memref<1x64x128xf32, #tpu.memory_space<vmem>>
        %get3A_378 = tpu.memref_squeeze %get3A_377 : memref<1x64x128xf32, #tpu.memory_space<vmem>> -> memref<64x128xf32, #tpu.memory_space<vmem>>
        %get3A_379 = arith.index_cast %add3A_372 : i32 to index
        %get3A_380 = arith.index_cast %mul3A_374 : i32 to index
        %get3A_381 = tpu.vector_load %get3A_378[%get3A_379, %get3A_380] {strides = array<i32>} : memref<64x128xf32, #tpu.memory_space<vmem>>, vector<16xf32>,
        %mul3A_382 = arith.constant 16 : i32
        %mul3A_383 = arith.muli %scan3A_258, %mul3A_382 : i32
        %get3A_384 = arith.constant 0 : i32
        %get3A_385 = arith.constant 0 : i32
        %get3A_386 = tpu.memref_slice %arg9[%scan3A_252, %get3A_384, %get3A_385] : memref<2x64x128xf32, #tpu.memory_space<vmem>> -> memref<1x64x128xf32, #tpu.memory_space<vmem>>
        %get3A_387 = tpu.memref_squeeze %get3A_386 : memref<1x64x128xf32, #tpu.memory_space<vmem>> -> memref<64x128xf32, #tpu.memory_space<vmem>>
        %get3A_388 = arith.index_cast %add3A_372 : i32 to index
        %get3A_389 = arith.index_cast %mul3A_383 : i32 to index
        %get3A_390 = tpu.vector_load %get3A_387[%get3A_388, %get3A_389] {strides = array<i32>} : memref<64x128xf32, #tpu.memory_space<vmem>>, vector<16xf32>,
        %gather3A_391 = tpu.vector_load_idx %arg7[%add3A_368, %get3A_263] : memref<64x1024xf32, #tpu.memory_space<vmem>>[vector<16xi32>, vector<16xi32>], vector<16xf32>,
        %mul3A_392 = arith.mulf %get3A_381, %get3A_390 : vector<16xf32>
        %mul3A_393 = arith.mulf %mul3A_392, %gather3A_391 : vector<16xf32>
        %add3A_394 = arith.addf %add3A_336, %mul3A_393 : vector<16xf32>
        %add3A_395 = arith.constant 1 : i32
        %add3A_396 = vector.broadcast %add3A_395 : i32 to vector<16xi32>
        %add3A_397 = arith.addi %add3A_368, %add3A_396 : vector<16xi32>
        %mul3A_398 = arith.constant 8 : i32
        %mul3A_399 = arith.muli %scan3A_279, %mul3A_398 : i32
        %add3A_400 = arith.constant 4 : i32
        %add3A_401 = arith.addi %mul3A_399, %add3A_400 : i32
        %mul3A_402 = arith.constant 16 : i32
        %mul3A_403 = arith.muli %scan3A_258, %mul3A_402 : i32
        %get3A_404 = arith.constant 0 : i32
        %get3A_405 = arith.constant 0 : i32
        %get3A_406 = tpu.memref_slice %arg8[%scan3A_251, %get3A_404, %get3A_405] : memref<2x64x128xf32, #tpu.memory_space<vmem>> -> memref<1x64x128xf32, #tpu.memory_space<vmem>>
        %get3A_407 = tpu.memref_squeeze %get3A_406 : memref<1x64x128xf32, #tpu.memory_space<vmem>> -> memref<64x128xf32, #tpu.memory_space<vmem>>
        %get3A_408 = arith.index_cast %add3A_401 : i32 to index
        %get3A_409 = arith.index_cast %mul3A_403 : i32 to index
        %get3A_410 = tpu.vector_load %get3A_407[%get3A_408, %get3A_409] {strides = array<i32>} : memref<64x128xf32, #tpu.memory_space<vmem>>, vector<16xf32>,
        %mul3A_411 = arith.constant 16 : i32
        %mul3A_412 = arith.muli %scan3A_258, %mul3A_411 : i32
        %get3A_413 = arith.constant 0 : i32
        %get3A_414 = arith.constant 0 : i32
        %get3A_415 = tpu.memref_slice %arg9[%scan3A_252, %get3A_413, %get3A_414] : memref<2x64x128xf32, #tpu.memory_space<vmem>> -> memref<1x64x128xf32, #tpu.memory_space<vmem>>
        %get3A_416 = tpu.memref_squeeze %get3A_415 : memref<1x64x128xf32, #tpu.memory_space<vmem>> -> memref<64x128xf32, #tpu.memory_space<vmem>>
        %get3A_417 = arith.index_cast %add3A_401 : i32 to index
        %get3A_418 = arith.index_cast %mul3A_412 : i32 to index
        %get3A_419 = tpu.vector_load %get3A_416[%get3A_417, %get3A_418] {strides = array<i32>} : memref<64x128xf32, #tpu.memory_space<vmem>>, vector<16xf32>,
        %gather3A_420 = tpu.vector_load_idx %arg7[%add3A_397, %get3A_263] : memref<64x1024xf32, #tpu.memory_space<vmem>>[vector<16xi32>, vector<16xi32>], vector<16xf32>,
        %mul3A_421 = arith.mulf %get3A_410, %get3A_419 : vector<16xf32>
        %mul3A_422 = arith.mulf %mul3A_421, %gather3A_420 : vector<16xf32>
        %add3A_423 = arith.addf %add3A_365, %mul3A_422 : vector<16xf32>
        %add3A_424 = arith.constant 1 : i32
        %add3A_425 = vector.broadcast %add3A_424 : i32 to vector<16xi32>
        %add3A_426 = arith.addi %add3A_397, %add3A_425 : vector<16xi32>
        %mul3A_427 = arith.constant 8 : i32
        %mul3A_428 = arith.muli %scan3A_279, %mul3A_427 : i32
        %add3A_429 = arith.constant 5 : i32
        %add3A_430 = arith.addi %mul3A_428, %add3A_429 : i32
        %mul3A_431 = arith.constant 16 : i32
        %mul3A_432 = arith.muli %scan3A_258, %mul3A_431 : i32
        %get3A_433 = arith.constant 0 : i32
        %get3A_434 = arith.constant 0 : i32
        %get3A_435 = tpu.memref_slice %arg8[%scan3A_251, %get3A_433, %get3A_434] : memref<2x64x128xf32, #tpu.memory_space<vmem>> -> memref<1x64x128xf32, #tpu.memory_space<vmem>>
        %get3A_436 = tpu.memref_squeeze %get3A_435 : memref<1x64x128xf32, #tpu.memory_space<vmem>> -> memref<64x128xf32, #tpu.memory_space<vmem>>
        %get3A_437 = arith.index_cast %add3A_430 : i32 to index
        %get3A_438 = arith.index_cast %mul3A_432 : i32 to index
        %get3A_439 = tpu.vector_load %get3A_436[%get3A_437, %get3A_438] {strides = array<i32>} : memref<64x128xf32, #tpu.memory_space<vmem>>, vector<16xf32>,
        %mul3A_440 = arith.constant 16 : i32
        %mul3A_441 = arith.muli %scan3A_258, %mul3A_440 : i32
        %get3A_442 = arith.constant 0 : i32
        %get3A_443 = arith.constant 0 : i32
        %get3A_444 = tpu.memref_slice %arg9[%scan3A_252, %get3A_442, %get3A_443] : memref<2x64x128xf32, #tpu.memory_space<vmem>> -> memref<1x64x128xf32, #tpu.memory_space<vmem>>
        %get3A_445 = tpu.memref_squeeze %get3A_444 : memref<1x64x128xf32, #tpu.memory_space<vmem>> -> memref<64x128xf32, #tpu.memory_space<vmem>>
        %get3A_446 = arith.index_cast %add3A_430 : i32 to index
        %get3A_447 = arith.index_cast %mul3A_441 : i32 to index
        %get3A_448 = tpu.vector_load %get3A_445[%get3A_446, %get3A_447] {strides = array<i32>} : memref<64x128xf32, #tpu.memory_space<vmem>>, vector<16xf32>,
        %gather3A_449 = tpu.vector_load_idx %arg7[%add3A_426, %get3A_263] : memref<64x1024xf32, #tpu.memory_space<vmem>>[vector<16xi32>, vector<16xi32>], vector<16xf32>,
        %mul3A_450 = arith.mulf %get3A_439, %get3A_448 : vector<16xf32>
        %mul3A_451 = arith.mulf %mul3A_450, %gather3A_449 : vector<16xf32>
        %add3A_452 = arith.addf %add3A_394, %mul3A_451 : vector<16xf32>
        %add3A_453 = arith.constant 1 : i32
        %add3A_454 = vector.broadcast %add3A_453 : i32 to vector<16xi32>
        %add3A_455 = arith.addi %add3A_426, %add3A_454 : vector<16xi32>
        %mul3A_456 = arith.constant 8 : i32
        %mul3A_457 = arith.muli %scan3A_279, %mul3A_456 : i32
        %add3A_458 = arith.constant 6 : i32
        %add3A_459 = arith.addi %mul3A_457, %add3A_458 : i32
        %mul3A_460 = arith.constant 16 : i32
        %mul3A_461 = arith.muli %scan3A_258, %mul3A_460 : i32
        %get3A_462 = arith.constant 0 : i32
        %get3A_463 = arith.constant 0 : i32
        %get3A_464 = tpu.memref_slice %arg8[%scan3A_251, %get3A_462, %get3A_463] : memref<2x64x128xf32, #tpu.memory_space<vmem>> -> memref<1x64x128xf32, #tpu.memory_space<vmem>>
        %get3A_465 = tpu.memref_squeeze %get3A_464 : memref<1x64x128xf32, #tpu.memory_space<vmem>> -> memref<64x128xf32, #tpu.memory_space<vmem>>
        %get3A_466 = arith.index_cast %add3A_459 : i32 to index
        %get3A_467 = arith.index_cast %mul3A_461 : i32 to index
        %get3A_468 = tpu.vector_load %get3A_465[%get3A_466, %get3A_467] {strides = array<i32>} : memref<64x128xf32, #tpu.memory_space<vmem>>, vector<16xf32>,
        %mul3A_469 = arith.constant 16 : i32
        %mul3A_470 = arith.muli %scan3A_258, %mul3A_469 : i32
        %get3A_471 = arith.constant 0 : i32
        %get3A_472 = arith.constant 0 : i32
        %get3A_473 = tpu.memref_slice %arg9[%scan3A_252, %get3A_471, %get3A_472] : memref<2x64x128xf32, #tpu.memory_space<vmem>> -> memref<1x64x128xf32, #tpu.memory_space<vmem>>
        %get3A_474 = tpu.memref_squeeze %get3A_473 : memref<1x64x128xf32, #tpu.memory_space<vmem>> -> memref<64x128xf32, #tpu.memory_space<vmem>>
        %get3A_475 = arith.index_cast %add3A_459 : i32 to index
        %get3A_476 = arith.index_cast %mul3A_470 : i32 to index
        %get3A_477 = tpu.vector_load %get3A_474[%get3A_475, %get3A_476] {strides = array<i32>} : memref<64x128xf32, #tpu.memory_space<vmem>>, vector<16xf32>,
        %gather3A_478 = tpu.vector_load_idx %arg7[%add3A_455, %get3A_263] : memref<64x1024xf32, #tpu.memory_space<vmem>>[vector<16xi32>, vector<16xi32>], vector<16xf32>,
        %mul3A_479 = arith.mulf %get3A_468, %get3A_477 : vector<16xf32>
        %mul3A_480 = arith.mulf %mul3A_479, %gather3A_478 : vector<16xf32>
        %add3A_481 = arith.addf %add3A_423, %mul3A_480 : vector<16xf32>
        %add3A_482 = arith.constant 1 : i32
        %add3A_483 = vector.broadcast %add3A_482 : i32 to vector<16xi32>
        %add3A_484 = arith.addi %add3A_455, %add3A_483 : vector<16xi32>
        %mul3A_485 = arith.constant 8 : i32
        %mul3A_486 = arith.muli %scan3A_279, %mul3A_485 : i32
        %add3A_487 = arith.constant 7 : i32
        %add3A_488 = arith.addi %mul3A_486, %add3A_487 : i32
        %mul3A_489 = arith.constant 16 : i32
        %mul3A_490 = arith.muli %scan3A_258, %mul3A_489 : i32
        %get3A_491 = arith.constant 0 : i32
        %get3A_492 = arith.constant 0 : i32
        %get3A_493 = tpu.memref_slice %arg8[%scan3A_251, %get3A_491, %get3A_492] : memref<2x64x128xf32, #tpu.memory_space<vmem>> -> memref<1x64x128xf32, #tpu.memory_space<vmem>>
        %get3A_494 = tpu.memref_squeeze %get3A_493 : memref<1x64x128xf32, #tpu.memory_space<vmem>> -> memref<64x128xf32, #tpu.memory_space<vmem>>
        %get3A_495 = arith.index_cast %add3A_488 : i32 to index
        %get3A_496 = arith.index_cast %mul3A_490 : i32 to index
        %get3A_497 = tpu.vector_load %get3A_494[%get3A_495, %get3A_496] {strides = array<i32>} : memref<64x128xf32, #tpu.memory_space<vmem>>, vector<16xf32>,
        %mul3A_498 = arith.constant 16 : i32
        %mul3A_499 = arith.muli %scan3A_258, %mul3A_498 : i32
        %get3A_500 = arith.constant 0 : i32
        %get3A_501 = arith.constant 0 : i32
        %get3A_502 = tpu.memref_slice %arg9[%scan3A_252, %get3A_500, %get3A_501] : memref<2x64x128xf32, #tpu.memory_space<vmem>> -> memref<1x64x128xf32, #tpu.memory_space<vmem>>
        %get3A_503 = tpu.memref_squeeze %get3A_502 : memref<1x64x128xf32, #tpu.memory_space<vmem>> -> memref<64x128xf32, #tpu.memory_space<vmem>>
        %get3A_504 = arith.index_cast %add3A_488 : i32 to index
        %get3A_505 = arith.index_cast %mul3A_499 : i32 to index
        %get3A_506 = tpu.vector_load %get3A_503[%get3A_504, %get3A_505] {strides = array<i32>} : memref<64x128xf32, #tpu.memory_space<vmem>>, vector<16xf32>,
        %gather3A_507 = tpu.vector_load_idx %arg7[%add3A_484, %get3A_263] : memref<64x1024xf32, #tpu.memory_space<vmem>>[vector<16xi32>, vector<16xi32>], vector<16xf32>,
        %mul3A_508 = arith.mulf %get3A_497, %get3A_506 : vector<16xf32>
        %mul3A_509 = arith.mulf %mul3A_508, %gather3A_507 : vector<16xf32>
        %add3A_510 = arith.addf %add3A_452, %mul3A_509 : vector<16xf32>
        %add3A_511 = arith.constant 1 : i32
        %add3A_512 = vector.broadcast %add3A_511 : i32 to vector<16xi32>
        %add3A_513 = arith.addi %add3A_484, %add3A_512 : vector<16xi32>
        scf.yield %add3A_481, %add3A_510, %add3A_513 : vector<16xf32>, vector<16xf32>, vector<16xi32>
      }
      %scan3A_272 = arith.constant 8 : i32
      %add3A_273 = arith.addf %scan3A_271#0, %scan3A_271#1 : vector<16xf32>
      %mul3A_274 = arith.constant 16 : i32
      %mul3A_275 = arith.muli %scan3A_258, %mul3A_274 : i32
      %add3A_276 = arith.constant 384 : i32
      %add3A_277 = arith.addi %add3A_276, %mul3A_275 : i32
      %swap3A = arith.index_cast %add3A_277 : i32 to index
      %swap3A_278 = tpu.vector_load %arg11[%swap3A] {strides = array<i32>} : memref<512xf32, #tpu.memory_space<vmem>>, vector<16xf32>,
      tpu.vector_store %arg11[%swap3A], %add3A_273 {strides = array<i32>} : memref<512xf32, #tpu.memory_space<vmem>>, vector<16xf32>,
    }
    %scan3A_257 = arith.constant 8 : i32
    "tpu.region"() ({
      %run_scoped3A = tpu.sem_alloc : memref<!tpu.dma_semaphore, #tpu.memory_space<semaphore_mem>>
      %dma_start3A_258 = tpu.memref_slice %arg6[%mul3A_2] : memref<16384xf32, #tpu.memory_space<hbm>> -> memref<512xf32, #tpu.memory_space<hbm>>
      %dma_start3A_259 = tpu.memref_slice %arg6[%mul3A_2] : memref<16384xf32, #tpu.memory_space<hbm>> -> memref<512xf32, #tpu.memory_space<hbm>>
      tpu.enqueue_dma source(%arg11 : memref<512xf32, #tpu.memory_space<vmem>>) target(%dma_start3A_259 : memref<512xf32, #tpu.memory_space<hbm>>) target_semaphore(%run_scoped3A : memref<!tpu.dma_semaphore, #tpu.memory_space<semaphore_mem>>)
      %dma_wait3A_260 = tpu.memref_slice %arg6[%mul3A_2] : memref<16384xf32, #tpu.memory_space<hbm>> -> memref<512xf32, #tpu.memory_space<hbm>>
      %dma_wait3A_261 = tpu.memref_slice %arg6[%mul3A_2] : memref<16384xf32, #tpu.memory_space<hbm>> -> memref<512xf32, #tpu.memory_space<hbm>>
      tpu.wait_dma2 semaphore(%run_scoped3A : memref<!tpu.dma_semaphore, #tpu.memory_space<semaphore_mem>>) src(%arg11 : memref<512xf32, #tpu.memory_space<vmem>>) dst(%dma_wait3A_261 : memref<512xf32, #tpu.memory_space<hbm>>)
      tpu.yield
    }) : () -> ()
    return
  }
}

</mosaic_0001>

<sc_bundles>
// kernel: kernel.3.cloned.1.call-start
scs
__scs_entry_jumppad:
0x0: {  	(pc) =	sbr.rel $0x88, $3  }
0x1: {  	(tag) =	ssettag $0x0;
	lr =	simm.s32 $0x1  }
0x2: {  	[smem:$0x3F9D] =	sst lr;
	_ =	strace $0xD0000000  }
0x3: {  	_ = 	snop  }
0x4: {  	_ = 	snop  }
0x5: {  	_ = 	snop  }
0x6: {  	_ = 	snop  }
0x7: {  	_ = 	snop  }
__scs_overlays_trampoline_lowered:
0x8: {  	[smem:$0x3FAC] =	sst s0  }
0x9: {  	[smem:$0x3FAD] =	sst s1  }
0xa: {  	[smem:$0x3FAE] =	sst s2  }
0xb: {  	[smem:$0x3FAF] =	sst s3  }
0xc: {  	[smem:$0x3FB0] =	sst s4  }
0xd: {  	[smem:$0x3FB1] =	sst s5  }
0xe: {  	[smem:$0x3FB2] =	sst s6  }
0xf: {  	[smem:$0x3FB3] =	sst s7  }
0x10: {  	[smem:$0x3FB4] =	sst s8  }
0x11: {  	[smem:$0x3FB5] =	sst s9;
	s0 =	simm.s32 @!p0 $0x0  }
0x12: {  	s1 =	sld [smem:$0x3F9B];
	s0 =	simm.s32 @p0 $0x1  }
0x13: {  	[smem:$0x3FB6] =	sst s0;
	s0 =	simm.s32 @!p1 $0x0  }
0x14: {  	s2 =	sld [smem:$0x3F9A];
	s0 =	simm.s32 @p1 $0x1  }
0x15: {  	[smem:$0x3FB7] =	sst s0;
	s0 =	simm.s32 @!p2 $0x0  }
0x16: {  	s3 =	sld [smem:$0x3FDB];
	s0 =	simm.s32 @p2 $0x1  }
0x17: {  	s4 =	simm.s32 $0x1BF5;
	[smem:$0x3FB9] =	sst s0  }
0x18: {  	s0 =	sld [smem:$0x3F9C];
	_ =	swait.ge [sflag:s4], $0x0  }
0x19: {  	s7 =	sld [smem:$0x3F9D]  }
0x1a: {  	s8 =	sadd.s32 $0xFFFFE003, lr  }
0x1b: {  	s9 =	sadd.s32 $0xFFFFFEF7, lr;
	s5 =	simm.s32 $0xFFFFFFFF;
	p2 =	slt.u32 s8, $0xFFFFF086  }
0x1c: {  	p1 =	slt.u32 s9, $0xF7A;
	s5 =	simm.s32 @!p2 $0x0  }
0x1d: {  	s5 =	simm.s32 @p1 $0x1;
	p0 =	seq.s32 s7, s2  }
0x1e: {  	s7 =	smul.u32 @!p0 $0xF7A, s2;
	p2 =	seq.s32 @!p0 s5, $0x0  }
0x1f: {  	s9 =	smul.u32 $0xF7A, s1;
	s8 =	simm.s32 @!p0 $0x1BF5;
	p2 =	por !p2, p0  }
0x20: {  	[sflag:s8] =	ssyncset.s32 @!p0 $0xFFFFF086;
	s6 =	sadd.s32 @!p0 s3, s7;
	s7 =	simm.s32 @!p0 $0x108  }
0x21: {  	s3 =	sadd.s32 s3, s9;
	s6 =	sadd.s32 @!p0 $0x88, s6;
	s7 =	simm.s32 @p2 $0x1082  }
0x22: {  	[simem:s7], [sflag:s8] =	dma.local @!p0 [hbm:s6], $0xF7A  }
0x23: {  	s9 =	sor.u32 $0xD0000000, s2;
	s6 =	simm.s32 $0x108;
	_ =	swait.ge @!p0 [sflag:s8], $0x0  }
0x24: {  	s3 =	sadd.s32 $0x88, s3;
	s6 =	simm.s32 @!p1 $0x1082;
	[sflag:s4] =	ssyncset.s32 $0xFFFFF086  }
0x25: {  	[simem:s6], [sflag:s4] =	dma.local [hbm:s3], $0xF7A  }
0x26: {  	[smem:$0x3F9D] =	sst s1;
	(tag) =	ssettag s2;
	_ =	strace s9  }
0x27: {  	s1 =	sld [smem:$0x3FAD]  }
0x28: {  	s2 =	sld [smem:$0x3FAE]  }
0x29: {  	s4 =	sld [smem:$0x3FB0]  }
0x2a: {  	p0 =	seq.s32 s5, $0x0;
	s5 =	sld [smem:$0x3FB1]  }
0x2b: {  	s6 =	sld [smem:$0x3FB2]  }
0x2c: {  	s7 =	sld [smem:$0x3FB3]  }
0x2d: {  	s3 =	simm.s32 $0x108;
	s8 =	sld [smem:$0x3FB4]  }
0x2e: {  	s3 =	simm.s32 @!p0 $0x1082;
	s9 =	sld [smem:$0x3FB5]  }
0x2f: {  	lr =	sadd.s32 s0, s3;
	s0 =	sld [smem:$0x3FAC]  }
0x30: {  	s3 =	sld [smem:$0x3FAF]  }
0x31: {  	[smem:$0x3FB8] =	sst s10  }
0x32: {  	s10 =	sld [smem:$0x3FB6];
	_ =	sdelay $0x3  }
0x33: {  	p0 =	seq.s32 s10, $0x1;
	s10 =	sld [smem:$0x3FB8];
	_ =	sdelay $0x3  }
0x34: {  	[smem:$0x3FB8] =	sst s10  }
0x35: {  	s10 =	sld [smem:$0x3FB7];
	_ =	sdelay $0x3  }
0x36: {  	p1 =	seq.s32 s10, $0x1;
	s10 =	sld [smem:$0x3FB8];
	_ =	sdelay $0x3  }
0x37: {  	[smem:$0x3FB8] =	sst s10  }
0x38: {  	s10 =	sld [smem:$0x3FB9]  }
0x39: {  	_ = 	snop;
	(pc) =	sbr.ind lr, $3  }
0x3a: {  	_ = 	snop  }
0x3b: {  	_ = 	snop  }
0x3c: {  	p2 =	seq.s32 s10, $0x1;
	s10 =	sld [smem:$0x3FB8]  }
0x3d: {  	_ =	shalt  }
0x3e: {  	_ =	shalt  }
0x3f: {  	_ =	shalt  }
0x40: {  	_ =	shalt  }
0x41: {  	_ =	shalt  }
0x42: {  	_ =	shalt  }
0x43: {  	_ =	shalt  }
0x44: {  	_ =	shalt  }
0x45: {  	_ =	shalt  }
0x46: {  	_ =	shalt  }
0x47: {  	_ =	shalt  }
0x48: {  	_ =	shalt  }
0x49: {  	_ =	shalt  }
0x4a: {  	_ =	shalt  }
0x4b: {  	_ =	shalt  }
0x4c: {  	_ =	shalt  }
0x4d: {  	_ =	shalt  }
0x4e: {  	_ =	shalt  }
0x4f: {  	_ =	shalt  }
0x50: {  	_ =	shalt  }
0x51: {  	_ =	shalt  }
0x52: {  	_ =	shalt  }
0x53: {  	_ =	shalt  }
0x54: {  	_ =	shalt  }
0x55: {  	_ =	shalt  }
0x56: {  	_ =	shalt  }
0x57: {  	_ =	shalt  }
0x58: {  	_ =	shalt  }
0x59: {  	_ =	shalt  }
0x5a: {  	_ =	shalt  }
0x5b: {  	_ =	shalt  }
0x5c: {  	_ =	shalt  }
0x5d: {  	_ =	shalt  }
0x5e: {  	_ =	shalt  }
0x5f: {  	_ =	shalt  }
0x60: {  	_ =	shalt  }
0x61: {  	_ =	shalt  }
0x62: {  	_ =	shalt  }
0x63: {  	_ =	shalt  }
0x64: {  	_ =	shalt  }
0x65: {  	_ =	shalt  }
0x66: {  	_ =	shalt  }
0x67: {  	_ =	shalt  }
0x68: {  	_ =	shalt  }
0x69: {  	_ =	shalt  }
0x6a: {  	_ =	shalt  }
0x6b: {  	_ =	shalt  }
0x6c: {  	_ =	shalt  }
0x6d: {  	_ =	shalt  }
0x6e: {  	_ =	shalt  }
0x6f: {  	_ =	shalt  }
0x70: {  	_ =	shalt  }
0x71: {  	_ =	shalt  }
0x72: {  	_ =	shalt  }
0x73: {  	_ =	shalt  }
0x74: {  	_ =	shalt  }
0x75: {  	_ =	shalt  }
0x76: {  	_ =	shalt  }
0x77: {  	_ =	shalt  }
0x78: {  	_ =	shalt  }
0x79: {  	_ =	shalt  }
0x7a: {  	_ =	shalt  }
0x7b: {  	_ =	shalt  }
0x7c: {  	_ =	shalt  }
0x7d: {  	_ =	shalt  }
0x7e: {  	_ =	shalt  }
0x7f: {  	_ =	shalt  }
0x80: {  	_ =	shalt  }
0x81: {  	_ =	shalt  }
0x82: {  	_ =	shalt  }
0x83: {  	_ =	shalt  }
0x84: {  	_ =	shalt  }
0x85: {  	_ =	shalt  }
0x86: {  	_ =	shalt  }
0x87: {  	_ =	shalt  }
.Lfunc_end0:
.L_simem_size_0:
called_computation_lowered:
.L_overlay_start_0:
0x88: {  	s2 =	sld [smem:$0x3FD9]  }
0x89: {  	s3 =	sld [smem:$0x3FFE];
	_ =	sdelay $0x1  }
0x8a: {  	s1 =	srdreg.scid  }
0x8b: {  	s0 =	sand.u32 $0x1, s1  }
0x8c: {  	s17 =	sshll.u32 s0, $0xA;
	s2 =	sadd.s32 s3, s2  }
0x8d: {  	s2 =	sadd.s32 s2, s17  }
0x8e: {  	[smem:$0x3FC4] =	sst s2  }
0x8f: {  	_ = 	snop  }
0x90: {  	s2 =	sld [smem:$0x3FC9]  }
0x91: {  	s18 =	sld [smem:$0x3FC8]  }
0x92: {  	s4 =	sld [smem:$0x3FC7]  }
0x93: {  	s5 =	sld [smem:$0x3FD0];
	(tm) =	ssettm $0x1  }
0x94: {  	s6 =	sld [smem:$0x3FFB];
	_ =	sdelay $0x3  }
0x95: {  	_ =	strace s6  }
0x96: {  	s6 =	sld [smem:$0x3FFC];
	_ =	sdelay $0x3  }
0x97: {  	_ =	strace s6  }
0x98: {  	s6 =	sld [smem:$0x3FFD];
	_ =	sdelay $0x3  }
0x99: {  	_ =	strace s6  }
0x9a: {  	_ =	strace $0x8FFFFFFF  }
0x9b: {  	s19 =	sld [smem:$0x3FDB];
	_ =	sdelay $0x1  }
0x9c: {  	s7 =	simm.s32 $_scs_section_size  }
0x9d: {  	s8 =	simm.s32 $_size__tile_overlayer_lowered;
	s9 =	simm.s32 $_tile_overlayer_lowered  }
0x9e: {  	s22 =	simm.s32 $0x1BFF;
	s21 =	sshll.u32 s9, $0x1;
	s6 =	sadd.s32 s7, s19  }
0x9f: {  	s10 =	simm.s32 $0x0;
	s20 =	sshll.u32 s8, $0x1;
	s8 =	sadd.s32 s21, s6  }
0xa0: {  	[timem:s10], [sflag:s22] =	dma.local [hbm:s8], s20  }
0xa1: {  	_ =	swait.ge [sflag:s22], s20  }
0xa2: {  	s7 =	ssub.s32 $0x0, s20;
	[sflag:s22] =	ssyncset.done $0x0  }
0xa3: {  	[sflag:s22] =	ssyncadd.s32 s7;
	_ =	sdelay $0x1  }
0xa4: {  	s23 =	simm.s32 $0x1B8B  }
0xa5: {  	_ =	swait.ge [sflag:s23], $0x1  }
0xa6: {  	[sflag:s23] =	ssyncset.done $0x0  }
0xa7: {  	s25 =	simm.s32 $0x1B8E;
	s24 =	sld [smem:$0x3FFE];
	[sflag:s23] =	ssyncadd.s32 $0xFFFFFFFF  }
0xa8: {  	s26 =	simm.s32 $execute0_lowered;
	[smem:$0x3FD2] =	sst s25  }
0xa9: {  	s8 =	sshll.u32 s26, $0x1;
	_ =	strace $0x80000046;
	[dreg:$0x1] =	wrdreg $0xFFFFFFFF  }
0xaa: {  	s28 =	simm.s32 $_size_execute0_lowered;
	s6 =	sadd.s32 s6, s8;
	[dreg:$0x0] =	wrdreg $0x0  }
0xab: {  	s8 =	sshll.u32 s28, $0x1;
	[dreg:$0x2] =	wrdreg s6  }
0xac: {  	[dreg:$0x3] =	wrdreg s8  }
0xad: {  	[dreg:$0x4] =	wrdreg $0xC0  }
0xae: {  	_ =	task [dreg:s10], $0x5FFFF  }
0xaf: {  	[dreg:$0x1] =	wrdreg $0xFFFFFFFF  }
0xb0: {  	[dreg:$0x0] =	wrdreg $0x60  }
0xb1: {  	[dreg:$0x2] =	wrdreg s2  }
0xb2: {  	[dreg:$0x3] =	wrdreg s18  }
0xb3: {  	[dreg:$0x4] =	wrdreg s4  }
0xb4: {  	[dreg:$0x5] =	wrdreg s24  }
0xb5: {  	[dreg:$0x6] =	wrdreg s5  }
0xb6: {  	[dreg:$0x7] =	wrdreg $0x184000  }
0xb7: {  	[dreg:$0x8] =	wrdreg $0x9  }
0xb8: {  	_ =	task.clear_ibuf [dreg:s10], $0x9FFFF;
	_ =	strace $0x90000046  }
0xb9: {  	s29 =	simm.s32 $0x9;
	_ =	strace $0x80000048  }
0xba: {  	_ =	swait.ge [sflag:s29], $0x1  }
0xbb: {  	[sflag:s29] =	ssyncadd.s32 $0xFFFFFFFF  }
0xbc: {  	_ =	strace $0x90000048  }
0xbd: {  	_ =	sfence  }
0xbe: {  	s30 =	sld [smem:$0x0];
	_ =	sdelay $0x2  }
0xbf: {  	s31 =	sshll.u32 s1, $0xD;
	s1 =	sshrl.u32 s1, $0x2  }
0xc0: {  	s3 =	sand.u32 $0x4000, s31;
	s1 =	sadd.s32 s1, s30  }
0xc1: {  	s0 =	sor.u32 s3, s0;
	s1 =	sshll.u32 s1, $0x11  }
0xc2: {  	s0 =	sor.u32 s1, s0  }
0xc3: {  	s0 =	sadd.s32 $0x8F2B, s0  }
0xc4: {  	[sflag:s0] =	ssyncadd.remote.s32 $0x1  }
0xc5: {  	_ =	sfence.sel $0xFFFF  }
0xc6: {  	[dreg:$0x0] =	wrdreg $0xFFFFFFFF;
	(pc) =	sbr.abs _section_cstart, $3  }
0xc7: {  	[dreg:$0x1] =	wrdreg $0xFFFFFFFF  }
0xc8: {  	_ =	task.clear_ibuf [dreg:s10], $0x2FFFF;
	_ =	strace $0x9FFFFFFF  }
0xc9: {  	(tm) =	ssettm $0x7FFFFFFF  }
tec
execute0_lowered:
.L_overlay_start_1:
0x0: {  	(tag) =	ssettag $0x1  }
0x1: {  	s0 =	rddreg [dreg:$0x0]  }
0x2: {  	s1 =	rddreg [dreg:$0x1]  }
0x3: {  	s2 =	rddreg [dreg:$0x2]  }
0x4: {  	s4 =	rddreg [dreg:$0x3]  }
0x5: {  	s15 =	rddreg [dreg:$0x4];
	s10 =	stileid.u32  }
0x6: {  	s12 =	rddreg [dreg:$0x5];
	s6 =	srdreg.scid;
	s20 =	simm.s32 $0x3  }
0x7: {  	s22 =	simm.s32 $0x400;
	s23 =	simm.s32 $0x20000;
	s28 =	simm.s32 $0x1  }
0x8: {  	s29 =	simm.s32 $0x10000;
	s30 =	simm.s32 $0x2;
	s3 =	sshll.u32 s10, $0xC  }
0x9: {  	s5 =	sshll.u32 s10, $0x9;
	s6 =	sand.u32 $0x1, s6;
	s9 =	sshll.u32 s10, $0xA  }
0xa: {  	s25 =	sshll.u32 s10, $0x6;
	s5 =	sor.u32 s5, s3;
	s3 =	simm.s32 $0x0  }
0xb: {  	s24 =	ssub.s32 $0x2, s6;
	s6 =	sshll.u32 s6, $0x9;
	s5 =	sand.u32 $0xE200, s5  }
0xc: {  	[smem:$0x7FF] =	sst s3;
	s8 =	sshrl.u32 s24, $0x1;
	s11 =	sor.u32 s6, s9  }
0xd: {  	s7 =	sshrl.u32 s5, $0x3;
	_ =	strace $0x80000047;
	s16 =	ssub.s32 s24, s8  }
0xe: {  	s17 =	sadd.s32 s5, s12;
	s18 =	sshrl.u32 s11, $0x3;
	s5 =	sor.u32 $0x1C03, s25  }
0xf: {  	s26 =	sor.u32 $0x80, s11;
	s8 =	sadd.s32 s2, s11;
	s31 =	sor.u32 $0x100, s11  }
0x10: {  	s14 =	sor.u32 $0x180, s11;
	s24 =	simm.s32 $0x14000;
	s25 =	simm.s32 $0x12000  }
0x11: {  	s4 =	sadd.s32 s7, s4;
	s6 =	sadd.s32 s1, s18;
	s7 =	sadd.s32 s0, s11  }
0x12: {  	s9 =	sadd.s32 s0, s26;
	s10 =	sadd.s32 s2, s26;
	s11 =	sadd.s32 s0, s31  }
0x13: {  	s12 =	sadd.s32 s2, s31;
	s13 =	sadd.s32 s0, s14;
	s14 =	sadd.s32 s2, s14  }
0x14: {  	s15 =	sadd.s32 s15, s18;
	s16 =	smax.u32 s16, $0x1;
	s17 =	sshrl.u32 s17, $0x3  }
0x15: {  	s26 =	simm.s32 $0x16000;
	s1 =	simm.s32 $0x0;
	s4 =	sadd.s32 $0x400, s4  }
.LBB2_1:
0x16: {  	s0 =	simm.s32 $0x4;
	s2 =	simm.s32 $0x80  }
0x17: {  	[spmem:s17@s2], [sflag:s5] =	dma.strided [hbm:s4@s2], $0x200, s0, $0x10   }
0x18: {  	_ =	swait.ge [sflag:s20], $0x200  }
0x19: {  	[sflag:s20] =	ssyncset.done $0x0  }
0x1a: {  	s21 =	simm.s32 $0x18000;
	[sflag:s20] =	ssyncadd.s32 $0xFFFFFE00  }
0x1b: {  	[tilespmem:s21], [sflag:$0x3] =	stream.linear.gather [hbm4b:s6+s3], $0x200, $0x38;
	[tilespmem:$0x19400] =	vst v63  }
0x1c: {  	_ =	swait.ge [sflag:s20], $0x200  }
0x1d: {  	[sflag:s20] =	ssyncset.done $0x0  }
0x1e: {  	[sflag:s20] =	ssyncadd.s32 $0xFFFFFE00  }
0x1f: {  	[tilespmem:s29], [sflag:$0x1] =	stream.strided.gather [hbm4b:s7+s22], $0x2000, s23, s22, $0x38;
	[tilespmem:$0x19400] =	vst v63  }
0x20: {  	_ = 	snop  }
0x21: {  	[tilespmem:s24], [sflag:$0x1] =	stream.strided.gather [hbm4b:s8+s22], $0x2000, s23, s22, $0x38;
	[tilespmem:$0x19400] =	vst v63  }
0x22: {  	_ = 	snop  }
0x23: {  	[tilespmem:s25], [sflag:$0x2] =	stream.strided.gather [hbm4b:s9+s22], $0x2000, s23, s22, $0x38;
	[tilespmem:$0x19400] =	vst v63  }
0x24: {  	_ = 	snop  }
0x25: {  	[tilespmem:s26], [sflag:$0x2] =	stream.strided.gather [hbm4b:s10+s22], $0x2000, s23, s22, $0x38;
	[tilespmem:$0x19400] =	vst v63  }
0x26: {  	[bflag:$0x0] =	sbarrier.arrive $0xFFFF  }
0x27: {  	s31 =	rddreg [dreg:$0x5]  }
0x28: {  	[tilespmem:s3], [sflag:$0x3] =	stream.linear.gather [spmem:s31], $0x10000, $0x38;
	[tilespmem:$0x19400] =	vst v63  }
0x29: {  	_ =	swait.ge [sflag:s20], $0x10000  }
0x2a: {  	[sflag:s20] =	ssyncset.done $0x0  }
0x2b: {  	[sflag:s20] =	ssyncadd.s32 $0xFFFF0000  }
0x2c: {  	_ =	swait.ge [sflag:s28], $0x2000  }
0x2d: {  	[sflag:s28] =	ssyncset.done $0x0  }
0x2e: {  	[sflag:s28] =	ssyncadd.s32 $0xFFFFE000  }
0x2f: {  	_ =	swait.ge [sflag:s28], $0x2000  }
0x30: {  	s18 =	simm.s32 $0x0;
	[sflag:s28] =	ssyncset.done $0x0  }
0x31: {  	s0 =	simm.s32 $0x14200;
	s2 =	simm.s32 $0x10000;
	[sflag:s28] =	ssyncadd.s32 $0xFFFFE000  }
.LBB2_2:
0x32: {  	v3 =	vmov s2  }
0x33: {  	v2 =	vmov s0;
	_ =	sdelay $0x1  }
0x34: {  	s19 =	sshll.u32 s18, $0x4  }
0x35: {  	s21 =	simm.s32 $0x0;
	v6 =	vld [tilespmem:s19+$0x18000]  }
0x36: {  	v4 =	vld.idx.msk [tilespmem:v3+s21+$0x300 ss:$0x1], $0xffff  }
0x37: {  	v5 =	vld.idx.msk [tilespmem:v2+s21+$0x100 ss:$0x1], $0xffff  }
0x38: {  	v0 =	vld.idx.msk [tilespmem:v3+s21+$0x380 ss:$0x1], $0xffff  }
0x39: {  	v1 =	vld.idx.msk [tilespmem:v2+s21+$0x180 ss:$0x1], $0xffff  }
0x3a: {  	v20 =	vld.idx.msk [tilespmem:v3+s21+$0x200 ss:$0x1], $0xffff  }
0x3b: {  	v21 =	vld.idx.msk [tilespmem:v2+s21+$0x0 ss:$0x1], $0xffff  }
0x3c: {  	v18 =	vimm.s32 $0x0;
	v17 =	vimm.f32 $0.0e+00;
	v15 =	vld.idx.msk [tilespmem:v2+s21+$0x80 ss:$0x1], $0xffff;
	v7 =	vshll.u32 v6, $0x3  }
0x3d: {  	v19 =	vshll.u32 v18, $0xA;
	v22 =	vld.idx.msk [tilespmem:v3+s21+$0x100 ss:$0x1], $0xffff;
	v13 =	vand.u32 $0x7F, v6;
	v16 =	vand.u32 $0xFFFFFC00, v7  }
0x3e: {  	v23 =	vld.idx.msk [tilespmem:v2+s21+$0xFFFFFF00 ss:$0x1], $0xffff;
	v14 =	vor.u32 $0x80, v13;
	v12 =	vor.u32 $0x100, v13;
	v9 =	vor.u32 $0x180, v13  }
0x3f: {  	v24 =	vld.idx.msk [tilespmem:v3+s21+$0x180 ss:$0x1], $0xffff;
	v10 =	vor.u32 $0x200, v13;
	v7 =	vor.u32 $0x280, v13;
	v11 =	vor.u32 $0x300, v13  }
0x40: {  	s31 =	simm.s32 $0x1000;
	v6 =	vld.idx.msk [tilespmem:v3+s21+$0x280 ss:$0x1], $0xffff;
	v8 =	vor.u32 $0x380, v13;
	v25 =	vadd.s32 v16, v19;
	v19 =	vimm.f32 $0.0e+00  }
.LBB2_3:
0x41: {  	p0 =	sne.s32 s31, $0x7000;
	v26 =	vor.u32 v13, v25;
	v27 =	vld.idx.msk [tilespmem:v2+s21+$0xFFFFFF80 ss:$0x1], $0xffff  }
0x42: {  	v29 =	vor.u32 v14, v25;
	v28 =	vld.idx.msk [tilespmem:v3+s21+$0x0 ss:$0x1], $0xffff  }
0x43: {  	v31 =	vor.u32 v12, v25;
	v30 =	vld.idx.msk [tilespmem:v2+s21+$0xFFFFFE00 ss:$0x1], $0xffff  }
0x44: {  	v33 =	vor.u32 v9, v25;
	v32 =	vld.idx.msk [tilespmem:v3+s21+$0x80 ss:$0x1], $0xffff  }
0x45: {  	v35 =	vor.u32 v10, v25;
	v34 =	vld.idx.msk [tilespmem:v2+s21+$0xFFFFFE80 ss:$0x1], $0xffff  }
0x46: {  	v36 =	vor.u32 v7, v25;
	v26 =	vld.idx.msk [tilespmem:v26+s3+$0x0], $0xffff  }
0x47: {  	v37 =	vor.u32 v11, v25;
	v29 =	vld.idx.msk [tilespmem:v29+s3+$0x0], $0xffff  }
0x48: {  	v25 =	vor.u32 v8, v25;
	v31 =	vld.idx.msk [tilespmem:v31+s3+$0x0], $0xffff  }
0x49: {  	v33 =	vld.idx.msk [tilespmem:v33+s3+$0x0], $0xffff  }
0x4a: {  	v20 =	vmul.f32 v21, v20;
	v21 =	vmul.f32 v5, v4;
	v35 =	vld.idx.msk [tilespmem:v35+s3+$0x0], $0xffff  }
0x4b: {  	v4 =	vmul.f32 v30, v28;
	v5 =	vmul.f32 v34, v32;
	v28 =	vld.idx.msk [tilespmem:v36+s3+$0x0], $0xffff  }
0x4c: {  	v22 =	vmul.f32 v23, v22;
	v23 =	vmul.f32 v27, v24;
	v24 =	vld.idx.msk [tilespmem:v37+s3+$0x0], $0xffff  }
0x4d: {  	s21 =	sshra.s32 s31, $0x2;
	v26 =	vmul.f32 v26, v4;
	v27 =	vmul.f32 v29, v5;
	v25 =	vld.idx.msk [tilespmem:v25+s3+$0x0], $0xffff  }
0x4e: {  	v6 =	vmul.f32 v15, v6;
	v22 =	vmul.f32 v31, v22;
	v4 =	vld.idx.msk [tilespmem:v3+s21+$0x300 ss:$0x1], $0xffff  }
0x4f: {  	v15 =	vadd.f32 v26, v17;
	v17 =	vadd.f32 v27, v19;
	v19 =	vmul.f32 v33, v23;
	v5 =	vld.idx.msk [tilespmem:v2+s21+$0x100 ss:$0x1], $0xffff  }
0x50: {  	v26 =	vmul.f32 v1, v0;
	v23 =	vmul.f32 v35, v20;
	v0 =	vld.idx.msk [tilespmem:v3+s21+$0x380 ss:$0x1], $0xffff  }
0x51: {  	v15 =	vadd.f32 v22, v15;
	v17 =	vadd.f32 v19, v17;
	v6 =	vmul.f32 v28, v6;
	v1 =	vld.idx.msk [tilespmem:v2+s21+$0x180 ss:$0x1], $0xffff  }
0x52: {  	v19 =	vmul.f32 v24, v21;
	v20 =	vld.idx.msk [tilespmem:v3+s21+$0x200 ss:$0x1], $0xffff  }
0x53: {  	v22 =	vadd.f32 v23, v15;
	v23 =	vadd.f32 v6, v17;
	v24 =	vmul.f32 v25, v26;
	v21 =	vld.idx.msk [tilespmem:v2+s21+$0x0 ss:$0x1], $0xffff  }
.Ltmp0:
0x54: {  	v6 =	vld.idx.msk [tilespmem:v3+s21+$0x280 ss:$0x1], $0xffff;
	(pc) =	sbr.rel @p0 .LBB2_3-.Ltmp0, $4  }
0x55: {  	v17 =	vadd.f32 v19, v22;
	v19 =	vadd.f32 v24, v23;
	v15 =	vld.idx.msk [tilespmem:v2+s21+$0x80 ss:$0x1], $0xffff  }
0x56: {  	v18 =	vadd.s32 $0x8, v18;
	v22 =	vld.idx.msk [tilespmem:v3+s21+$0x100 ss:$0x1], $0xffff  }
0x57: {  	v24 =	vshll.u32 v18, $0xA;
	v23 =	vld.idx.msk [tilespmem:v2+s21+$0xFFFFFF00 ss:$0x1], $0xffff  }
0x58: {  	s31 =	sadd.s32 $0x1000, s31;
	v25 =	vadd.s32 v16, v24;
	v24 =	vld.idx.msk [tilespmem:v3+s21+$0x180 ss:$0x1], $0xffff  }
0x59: {  	_ =	sdelay $0x3  }
0x5a: {  	v13 =	vor.u32 v13, v25;
	v16 =	vld.idx.msk [tilespmem:v2+s21+$0xFFFFFF80 ss:$0x1], $0xffff  }
0x5b: {  	v18 =	vld.idx.msk [tilespmem:v3+s21+$0x0 ss:$0x1], $0xffff;
	v14 =	vor.u32 v14, v25  }
0x5c: {  	v26 =	vld.idx.msk [tilespmem:v2+s21+$0xFFFFFE00 ss:$0x1], $0xffff;
	v12 =	vor.u32 v12, v25  }
0x5d: {  	v57 =	vld.idx.msk [tilespmem:v3+s21+$0x80 ss:$0x1], $0xffff;
	v9 =	vor.u32 v9, v25  }
0x5e: {  	v58 =	vld.idx.msk [tilespmem:v2+s21+$0xFFFFFE80 ss:$0x1], $0xffff;
	v10 =	vor.u32 v10, v25  }
0x5f: {  	v7 =	vor.u32 v7, v25;
	v13 =	vld.idx.msk [tilespmem:v13+s3+$0x0], $0xffff  }
0x60: {  	v11 =	vor.u32 v11, v25;
	v14 =	vld.idx.msk [tilespmem:v14+s3+$0x0], $0xffff  }
0x61: {  	v8 =	vor.u32 v8, v25;
	v12 =	vld.idx.msk [tilespmem:v12+s3+$0x0], $0xffff  }
0x62: {  	v20 =	vmul.f32 v21, v20;
	v4 =	vmul.f32 v5, v4;
	v9 =	vld.idx.msk [tilespmem:v9+s3+$0x0], $0xffff  }
0x63: {  	v59 =	vld.idx.msk [tilespmem:v10+s3+$0x0], $0xffff;
	v60 =	vmul.f32 v26, v18;
	v2 =	vmul.f32 v58, v57  }
0x64: {  	v62 =	vmul.f32 v23, v22;
	v61 =	vld.idx.msk [tilespmem:v7+s3+$0x0], $0xffff;
	v16 =	vmul.f32 v16, v24  }
0x65: {  	v11 =	vld.idx.msk [tilespmem:v11+s3+$0x0], $0xffff;
	v10 =	vmul.f32 v13, v60;
	v2 =	vmul.f32 v14, v2  }
0x66: {  	v6 =	vmul.f32 v15, v6;
	v8 =	vld.idx.msk [tilespmem:v8+s3+$0x0], $0xffff;
	v7 =	vmul.f32 v12, v62  }
0x67: {  	v9 =	vmul.f32 v9, v16;
	v10 =	vadd.f32 v10, v17;
	v2 =	vadd.f32 v2, v19  }
0x68: {  	v0 =	vmul.f32 v1, v0;
	v5 =	vmul.f32 v59, v20  }
0x69: {  	v3 =	vmul.f32 v61, v6;
	v63 =	vadd.f32 v7, v10;
	v2 =	vadd.f32 v9, v2  }
0x6a: {  	v4 =	vmul.f32 v11, v4  }
0x6b: {  	s18 =	sadd.s32 $0x1, s18;
	v0 =	vmul.f32 v8, v0;
	v1 =	vadd.f32 v5, v63;
	v2 =	vadd.f32 v3, v2  }
0x6c: {  	p0 =	sne.s32 s18, $0x8  }
.Ltmp1:
0x6d: {  	v1 =	vadd.f32 v4, v1;
	v0 =	vadd.f32 v0, v2;
	(pc) =	sbr.rel @p0 .LBB2_2-.Ltmp1, $3  }
0x6e: {  	_ = 	snop  }
0x6f: {  	v0 =	vadd.f32 v0, v1;
	_ =	sdelay $0x1  }
0x70: {  	s0 =	sadd.s32 $0x10, s0;
	s2 =	sadd.s32 $0x10, s2;
	[tilespmem:s19+$0x18200] =	vst v0  }
0x71: {  	[tilespmem:s29], [sflag:$0x1] =	stream.strided.gather [hbm4b:s11+s22], $0x2000, s23, s22, $0x38;
	[tilespmem:$0x19400] =	vst v63  }
0x72: {  	_ = 	snop  }
0x73: {  	[tilespmem:s24], [sflag:$0x1] =	stream.strided.gather [hbm4b:s12+s22], $0x2000, s23, s22, $0x38;
	[tilespmem:$0x19400] =	vst v63  }
0x74: {  	_ =	swait.ge [sflag:s30], $0x2000  }
0x75: {  	[sflag:s30] =	ssyncset.done $0x0  }
0x76: {  	[sflag:s30] =	ssyncadd.s32 $0xFFFFE000  }
0x77: {  	_ =	swait.ge [sflag:s30], $0x2000  }
0x78: {  	s0 =	simm.s32 $0x0;
	[sflag:s30] =	ssyncset.done $0x0  }
0x79: {  	s2 =	simm.s32 $0x16380;
	s18 =	simm.s32 $0x12000;
	[sflag:s30] =	ssyncadd.s32 $0xFFFFE000  }
.LBB2_6:
0x7a: {  	v3 =	vmov s18  }
0x7b: {  	v2 =	vmov s2;
	_ =	sdelay $0x1  }
0x7c: {  	s19 =	sshll.u32 s0, $0x4  }
0x7d: {  	s21 =	simm.s32 $0x0;
	v6 =	vld [tilespmem:s19+$0x18080]  }
0x7e: {  	v4 =	vld.idx.msk [tilespmem:v3+s21+$0x300 ss:$0x1], $0xffff  }
0x7f: {  	v5 =	vld.idx.msk [tilespmem:v2+s21+$0xFFFFFF80 ss:$0x1], $0xffff  }
0x80: {  	v0 =	vld.idx.msk [tilespmem:v3+s21+$0x380 ss:$0x1], $0xffff  }
0x81: {  	v1 =	vld.idx.msk [tilespmem:v2+s21+$0x0 ss:$0x1], $0xffff  }
0x82: {  	v20 =	vld.idx.msk [tilespmem:v3+s21+$0x200 ss:$0x1], $0xffff  }
0x83: {  	v21 =	vld.idx.msk [tilespmem:v2+s21+$0xFFFFFE80 ss:$0x1], $0xffff  }
0x84: {  	v18 =	vimm.s32 $0x0;
	v17 =	vimm.f32 $0.0e+00;
	v15 =	vld.idx.msk [tilespmem:v2+s21+$0xFFFFFF00 ss:$0x1], $0xffff;
	v7 =	vshll.u32 v6, $0x3  }
0x85: {  	v19 =	vshll.u32 v18, $0xA;
	v22 =	vld.idx.msk [tilespmem:v3+s21+$0x100 ss:$0x1], $0xffff;
	v13 =	vand.u32 $0x7F, v6;
	v16 =	vand.u32 $0xFFFFFC00, v7  }
0x86: {  	v23 =	vld.idx.msk [tilespmem:v2+s21+$0xFFFFFD80 ss:$0x1], $0xffff;
	v14 =	vor.u32 $0x80, v13;
	v12 =	vor.u32 $0x100, v13;
	v9 =	vor.u32 $0x180, v13  }
0x87: {  	v24 =	vld.idx.msk [tilespmem:v3+s21+$0x180 ss:$0x1], $0xffff;
	v10 =	vor.u32 $0x200, v13;
	v7 =	vor.u32 $0x280, v13;
	v11 =	vor.u32 $0x300, v13  }
0x88: {  	s31 =	simm.s32 $0x1000;
	s19 =	sor.u32 $0x80, s19;
	v6 =	vld.idx.msk [tilespmem:v3+s21+$0x280 ss:$0x1], $0xffff;
	v8 =	vor.u32 $0x380, v13;
	v25 =	vadd.s32 v16, v19;
	v19 =	vimm.f32 $0.0e+00  }
.LBB2_7:
0x89: {  	p0 =	sne.s32 s31, $0x7000;
	v26 =	vor.u32 v13, v25;
	v27 =	vld.idx.msk [tilespmem:v2+s21+$0xFFFFFE00 ss:$0x1], $0xffff  }
0x8a: {  	v29 =	vor.u32 v14, v25;
	v28 =	vld.idx.msk [tilespmem:v3+s21+$0x0 ss:$0x1], $0xffff  }
0x8b: {  	v31 =	vor.u32 v12, v25;
	v30 =	vld.idx.msk [tilespmem:v2+s21+$0xFFFFFC80 ss:$0x1], $0xffff  }
0x8c: {  	v33 =	vor.u32 v9, v25;
	v32 =	vld.idx.msk [tilespmem:v3+s21+$0x80 ss:$0x1], $0xffff  }
0x8d: {  	v35 =	vor.u32 v10, v25;
	v34 =	vld.idx.msk [tilespmem:v2+s21+$0xFFFFFD00 ss:$0x1], $0xffff  }
0x8e: {  	v36 =	vor.u32 v7, v25;
	v26 =	vld.idx.msk [tilespmem:v26+s3+$0x0], $0xffff  }
0x8f: {  	v37 =	vor.u32 v11, v25;
	v29 =	vld.idx.msk [tilespmem:v29+s3+$0x0], $0xffff  }
0x90: {  	v25 =	vor.u32 v8, v25;
	v31 =	vld.idx.msk [tilespmem:v31+s3+$0x0], $0xffff  }
0x91: {  	v33 =	vld.idx.msk [tilespmem:v33+s3+$0x0], $0xffff  }
0x92: {  	v20 =	vmul.f32 v21, v20;
	v21 =	vmul.f32 v5, v4;
	v35 =	vld.idx.msk [tilespmem:v35+s3+$0x0], $0xffff  }
0x93: {  	v4 =	vmul.f32 v30, v28;
	v5 =	vmul.f32 v34, v32;
	v28 =	vld.idx.msk [tilespmem:v36+s3+$0x0], $0xffff  }
0x94: {  	v22 =	vmul.f32 v23, v22;
	v23 =	vmul.f32 v27, v24;
	v24 =	vld.idx.msk [tilespmem:v37+s3+$0x0], $0xffff  }
0x95: {  	s21 =	sshra.s32 s31, $0x2;
	v26 =	vmul.f32 v26, v4;
	v27 =	vmul.f32 v29, v5;
	v25 =	vld.idx.msk [tilespmem:v25+s3+$0x0], $0xffff  }
0x96: {  	v6 =	vmul.f32 v15, v6;
	v22 =	vmul.f32 v31, v22;
	v4 =	vld.idx.msk [tilespmem:v3+s21+$0x300 ss:$0x1], $0xffff  }
0x97: {  	v15 =	vadd.f32 v26, v17;
	v17 =	vadd.f32 v27, v19;
	v19 =	vmul.f32 v33, v23;
	v5 =	vld.idx.msk [tilespmem:v2+s21+$0xFFFFFF80 ss:$0x1], $0xffff  }
0x98: {  	v26 =	vmul.f32 v1, v0;
	v23 =	vmul.f32 v35, v20;
	v0 =	vld.idx.msk [tilespmem:v3+s21+$0x380 ss:$0x1], $0xffff  }
0x99: {  	v15 =	vadd.f32 v22, v15;
	v17 =	vadd.f32 v19, v17;
	v6 =	vmul.f32 v28, v6;
	v1 =	vld.idx.msk [tilespmem:v2+s21+$0x0 ss:$0x1], $0xffff  }
0x9a: {  	v19 =	vmul.f32 v24, v21;
	v20 =	vld.idx.msk [tilespmem:v3+s21+$0x200 ss:$0x1], $0xffff  }
0x9b: {  	v22 =	vadd.f32 v23, v15;
	v23 =	vadd.f32 v6, v17;
	v24 =	vmul.f32 v25, v26;
	v21 =	vld.idx.msk [tilespmem:v2+s21+$0xFFFFFE80 ss:$0x1], $0xffff  }
.Ltmp2:
0x9c: {  	v6 =	vld.idx.msk [tilespmem:v3+s21+$0x280 ss:$0x1], $0xffff;
	(pc) =	sbr.rel @p0 .LBB2_7-.Ltmp2, $4  }
0x9d: {  	v17 =	vadd.f32 v19, v22;
	v19 =	vadd.f32 v24, v23;
	v15 =	vld.idx.msk [tilespmem:v2+s21+$0xFFFFFF00 ss:$0x1], $0xffff  }
0x9e: {  	v18 =	vadd.s32 $0x8, v18;
	v22 =	vld.idx.msk [tilespmem:v3+s21+$0x100 ss:$0x1], $0xffff  }
0x9f: {  	v24 =	vshll.u32 v18, $0xA;
	v23 =	vld.idx.msk [tilespmem:v2+s21+$0xFFFFFD80 ss:$0x1], $0xffff  }
0xa0: {  	s31 =	sadd.s32 $0x1000, s31;
	v25 =	vadd.s32 v16, v24;
	v24 =	vld.idx.msk [tilespmem:v3+s21+$0x180 ss:$0x1], $0xffff  }
0xa1: {  	_ =	sdelay $0x3  }
0xa2: {  	v13 =	vor.u32 v13, v25;
	v16 =	vld.idx.msk [tilespmem:v2+s21+$0xFFFFFE00 ss:$0x1], $0xffff  }
0xa3: {  	v18 =	vld.idx.msk [tilespmem:v3+s21+$0x0 ss:$0x1], $0xffff;
	v14 =	vor.u32 v14, v25  }
0xa4: {  	v26 =	vld.idx.msk [tilespmem:v2+s21+$0xFFFFFC80 ss:$0x1], $0xffff;
	v12 =	vor.u32 v12, v25  }
0xa5: {  	v57 =	vld.idx.msk [tilespmem:v3+s21+$0x80 ss:$0x1], $0xffff;
	v9 =	vor.u32 v9, v25  }
0xa6: {  	v58 =	vld.idx.msk [tilespmem:v2+s21+$0xFFFFFD00 ss:$0x1], $0xffff;
	v10 =	vor.u32 v10, v25  }
0xa7: {  	v7 =	vor.u32 v7, v25;
	v13 =	vld.idx.msk [tilespmem:v13+s3+$0x0], $0xffff  }
0xa8: {  	v11 =	vor.u32 v11, v25;
	v14 =	vld.idx.msk [tilespmem:v14+s3+$0x0], $0xffff  }
0xa9: {  	v8 =	vor.u32 v8, v25;
	v12 =	vld.idx.msk [tilespmem:v12+s3+$0x0], $0xffff  }
0xaa: {  	v20 =	vmul.f32 v21, v20;
	v4 =	vmul.f32 v5, v4;
	v9 =	vld.idx.msk [tilespmem:v9+s3+$0x0], $0xffff  }
0xab: {  	v59 =	vld.idx.msk [tilespmem:v10+s3+$0x0], $0xffff;
	v60 =	vmul.f32 v26, v18;
	v2 =	vmul.f32 v58, v57  }
0xac: {  	v62 =	vmul.f32 v23, v22;
	v61 =	vld.idx.msk [tilespmem:v7+s3+$0x0], $0xffff;
	v16 =	vmul.f32 v16, v24  }
0xad: {  	v11 =	vld.idx.msk [tilespmem:v11+s3+$0x0], $0xffff;
	v10 =	vmul.f32 v13, v60;
	v2 =	vmul.f32 v14, v2  }
0xae: {  	v6 =	vmul.f32 v15, v6;
	v8 =	vld.idx.msk [tilespmem:v8+s3+$0x0], $0xffff;
	v7 =	vmul.f32 v12, v62  }
0xaf: {  	v9 =	vmul.f32 v9, v16;
	v10 =	vadd.f32 v10, v17;
	v2 =	vadd.f32 v2, v19  }
0xb0: {  	v0 =	vmul.f32 v1, v0;
	v5 =	vmul.f32 v59, v20  }
0xb1: {  	v3 =	vmul.f32 v61, v6;
	v63 =	vadd.f32 v7, v10;
	v2 =	vadd.f32 v9, v2  }
0xb2: {  	v4 =	vmul.f32 v11, v4  }
0xb3: {  	s0 =	sadd.s32 $0x1, s0;
	v0 =	vmul.f32 v8, v0;
	v1 =	vadd.f32 v5, v63;
	v2 =	vadd.f32 v3, v2  }
0xb4: {  	p0 =	sne.s32 s0, $0x8  }
.Ltmp3:
0xb5: {  	v1 =	vadd.f32 v4, v1;
	v0 =	vadd.f32 v0, v2;
	(pc) =	sbr.rel @p0 .LBB2_6-.Ltmp3, $3  }
0xb6: {  	_ = 	snop  }
0xb7: {  	v0 =	vadd.f32 v0, v1;
	_ =	sdelay $0x1  }
0xb8: {  	s2 =	sadd.s32 $0x10, s2;
	s18 =	sadd.s32 $0x10, s18;
	[tilespmem:s19+$0x18200] =	vst v0  }
0xb9: {  	[tilespmem:s25], [sflag:$0x2] =	stream.strided.gather [hbm4b:s13+s22], $0x2000, s23, s22, $0x38;
	[tilespmem:$0x19400] =	vst v63  }
0xba: {  	_ = 	snop  }
0xbb: {  	[tilespmem:s26], [sflag:$0x2] =	stream.strided.gather [hbm4b:s14+s22], $0x2000, s23, s22, $0x38;
	[tilespmem:$0x19400] =	vst v63  }
0xbc: {  	_ =	swait.ge [sflag:s28], $0x2000  }
0xbd: {  	[sflag:s28] =	ssyncset.done $0x0  }
0xbe: {  	[sflag:s28] =	ssyncadd.s32 $0xFFFFE000  }
0xbf: {  	_ =	swait.ge [sflag:s28], $0x2000  }
0xc0: {  	s0 =	simm.s32 $0x0;
	[sflag:s28] =	ssyncset.done $0x0  }
0xc1: {  	s2 =	simm.s32 $0x14200;
	s18 =	simm.s32 $0x10000;
	[sflag:s28] =	ssyncadd.s32 $0xFFFFE000  }
.LBB2_10:
0xc2: {  	v3 =	vmov s18  }
0xc3: {  	v2 =	vmov s2;
	_ =	sdelay $0x1  }
0xc4: {  	s19 =	sshll.u32 s0, $0x4  }
0xc5: {  	s21 =	simm.s32 $0x0;
	v6 =	vld [tilespmem:s19+$0x18100]  }
0xc6: {  	v4 =	vld.idx.msk [tilespmem:v3+s21+$0x300 ss:$0x1], $0xffff  }
0xc7: {  	v5 =	vld.idx.msk [tilespmem:v2+s21+$0x100 ss:$0x1], $0xffff  }
0xc8: {  	v0 =	vld.idx.msk [tilespmem:v3+s21+$0x380 ss:$0x1], $0xffff  }
0xc9: {  	v1 =	vld.idx.msk [tilespmem:v2+s21+$0x180 ss:$0x1], $0xffff  }
0xca: {  	v20 =	vld.idx.msk [tilespmem:v3+s21+$0x200 ss:$0x1], $0xffff  }
0xcb: {  	v21 =	vld.idx.msk [tilespmem:v2+s21+$0x0 ss:$0x1], $0xffff  }
0xcc: {  	v18 =	vimm.s32 $0x0;
	v17 =	vimm.f32 $0.0e+00;
	v15 =	vld.idx.msk [tilespmem:v2+s21+$0x80 ss:$0x1], $0xffff;
	v7 =	vshll.u32 v6, $0x3  }
0xcd: {  	v19 =	vshll.u32 v18, $0xA;
	v22 =	vld.idx.msk [tilespmem:v3+s21+$0x100 ss:$0x1], $0xffff;
	v13 =	vand.u32 $0x7F, v6;
	v16 =	vand.u32 $0xFFFFFC00, v7  }
0xce: {  	v23 =	vld.idx.msk [tilespmem:v2+s21+$0xFFFFFF00 ss:$0x1], $0xffff;
	v14 =	vor.u32 $0x80, v13;
	v12 =	vor.u32 $0x100, v13;
	v9 =	vor.u32 $0x180, v13  }
0xcf: {  	v24 =	vld.idx.msk [tilespmem:v3+s21+$0x180 ss:$0x1], $0xffff;
	v10 =	vor.u32 $0x200, v13;
	v7 =	vor.u32 $0x280, v13;
	v11 =	vor.u32 $0x300, v13  }
0xd0: {  	s31 =	simm.s32 $0x1000;
	s19 =	sor.u32 $0x100, s19;
	v6 =	vld.idx.msk [tilespmem:v3+s21+$0x280 ss:$0x1], $0xffff;
	v8 =	vor.u32 $0x380, v13;
	v25 =	vadd.s32 v16, v19;
	v19 =	vimm.f32 $0.0e+00  }
.LBB2_11:
0xd1: {  	p0 =	sne.s32 s31, $0x7000;
	v26 =	vor.u32 v13, v25;
	v27 =	vld.idx.msk [tilespmem:v2+s21+$0xFFFFFF80 ss:$0x1], $0xffff  }
0xd2: {  	v29 =	vor.u32 v14, v25;
	v28 =	vld.idx.msk [tilespmem:v3+s21+$0x0 ss:$0x1], $0xffff  }
0xd3: {  	v31 =	vor.u32 v12, v25;
	v30 =	vld.idx.msk [tilespmem:v2+s21+$0xFFFFFE00 ss:$0x1], $0xffff  }
0xd4: {  	v33 =	vor.u32 v9, v25;
	v32 =	vld.idx.msk [tilespmem:v3+s21+$0x80 ss:$0x1], $0xffff  }
0xd5: {  	v35 =	vor.u32 v10, v25;
	v34 =	vld.idx.msk [tilespmem:v2+s21+$0xFFFFFE80 ss:$0x1], $0xffff  }
0xd6: {  	v36 =	vor.u32 v7, v25;
	v26 =	vld.idx.msk [tilespmem:v26+s3+$0x0], $0xffff  }
0xd7: {  	v37 =	vor.u32 v11, v25;
	v29 =	vld.idx.msk [tilespmem:v29+s3+$0x0], $0xffff  }
0xd8: {  	v25 =	vor.u32 v8, v25;
	v31 =	vld.idx.msk [tilespmem:v31+s3+$0x0], $0xffff  }
0xd9: {  	v33 =	vld.idx.msk [tilespmem:v33+s3+$0x0], $0xffff  }
0xda: {  	v20 =	vmul.f32 v21, v20;
	v21 =	vmul.f32 v5, v4;
	v35 =	vld.idx.msk [tilespmem:v35+s3+$0x0], $0xffff  }
0xdb: {  	v4 =	vmul.f32 v30, v28;
	v5 =	vmul.f32 v34, v32;
	v28 =	vld.idx.msk [tilespmem:v36+s3+$0x0], $0xffff  }
0xdc: {  	v22 =	vmul.f32 v23, v22;
	v23 =	vmul.f32 v27, v24;
	v24 =	vld.idx.msk [tilespmem:v37+s3+$0x0], $0xffff  }
0xdd: {  	s21 =	sshra.s32 s31, $0x2;
	v26 =	vmul.f32 v26, v4;
	v27 =	vmul.f32 v29, v5;
	v25 =	vld.idx.msk [tilespmem:v25+s3+$0x0], $0xffff  }
0xde: {  	v6 =	vmul.f32 v15, v6;
	v22 =	vmul.f32 v31, v22;
	v4 =	vld.idx.msk [tilespmem:v3+s21+$0x300 ss:$0x1], $0xffff  }
0xdf: {  	v15 =	vadd.f32 v26, v17;
	v17 =	vadd.f32 v27, v19;
	v19 =	vmul.f32 v33, v23;
	v5 =	vld.idx.msk [tilespmem:v2+s21+$0x100 ss:$0x1], $0xffff  }
0xe0: {  	v26 =	vmul.f32 v1, v0;
	v23 =	vmul.f32 v35, v20;
	v0 =	vld.idx.msk [tilespmem:v3+s21+$0x380 ss:$0x1], $0xffff  }
0xe1: {  	v15 =	vadd.f32 v22, v15;
	v17 =	vadd.f32 v19, v17;
	v6 =	vmul.f32 v28, v6;
	v1 =	vld.idx.msk [tilespmem:v2+s21+$0x180 ss:$0x1], $0xffff  }
0xe2: {  	v19 =	vmul.f32 v24, v21;
	v20 =	vld.idx.msk [tilespmem:v3+s21+$0x200 ss:$0x1], $0xffff  }
0xe3: {  	v22 =	vadd.f32 v23, v15;
	v23 =	vadd.f32 v6, v17;
	v24 =	vmul.f32 v25, v26;
	v21 =	vld.idx.msk [tilespmem:v2+s21+$0x0 ss:$0x1], $0xffff  }
.Ltmp4:
0xe4: {  	v6 =	vld.idx.msk [tilespmem:v3+s21+$0x280 ss:$0x1], $0xffff;
	(pc) =	sbr.rel @p0 .LBB2_11-.Ltmp4, $4  }
0xe5: {  	v17 =	vadd.f32 v19, v22;
	v19 =	vadd.f32 v24, v23;
	v15 =	vld.idx.msk [tilespmem:v2+s21+$0x80 ss:$0x1], $0xffff  }
0xe6: {  	v18 =	vadd.s32 $0x8, v18;
	v22 =	vld.idx.msk [tilespmem:v3+s21+$0x100 ss:$0x1], $0xffff  }
0xe7: {  	v24 =	vshll.u32 v18, $0xA;
	v23 =	vld.idx.msk [tilespmem:v2+s21+$0xFFFFFF00 ss:$0x1], $0xffff  }
0xe8: {  	s31 =	sadd.s32 $0x1000, s31;
	v25 =	vadd.s32 v16, v24;
	v24 =	vld.idx.msk [tilespmem:v3+s21+$0x180 ss:$0x1], $0xffff  }
0xe9: {  	_ =	sdelay $0x3  }
0xea: {  	v13 =	vor.u32 v13, v25;
	v16 =	vld.idx.msk [tilespmem:v2+s21+$0xFFFFFF80 ss:$0x1], $0xffff  }
0xeb: {  	v18 =	vld.idx.msk [tilespmem:v3+s21+$0x0 ss:$0x1], $0xffff;
	v14 =	vor.u32 v14, v25  }
0xec: {  	v26 =	vld.idx.msk [tilespmem:v2+s21+$0xFFFFFE00 ss:$0x1], $0xffff;
	v12 =	vor.u32 v12, v25  }
0xed: {  	v57 =	vld.idx.msk [tilespmem:v3+s21+$0x80 ss:$0x1], $0xffff;
	v9 =	vor.u32 v9, v25  }
0xee: {  	v58 =	vld.idx.msk [tilespmem:v2+s21+$0xFFFFFE80 ss:$0x1], $0xffff;
	v10 =	vor.u32 v10, v25  }
0xef: {  	v7 =	vor.u32 v7, v25;
	v13 =	vld.idx.msk [tilespmem:v13+s3+$0x0], $0xffff  }
0xf0: {  	v11 =	vor.u32 v11, v25;
	v14 =	vld.idx.msk [tilespmem:v14+s3+$0x0], $0xffff  }
0xf1: {  	v8 =	vor.u32 v8, v25;
	v12 =	vld.idx.msk [tilespmem:v12+s3+$0x0], $0xffff  }
0xf2: {  	v20 =	vmul.f32 v21, v20;
	v4 =	vmul.f32 v5, v4;
	v9 =	vld.idx.msk [tilespmem:v9+s3+$0x0], $0xffff  }
0xf3: {  	v59 =	vld.idx.msk [tilespmem:v10+s3+$0x0], $0xffff;
	v60 =	vmul.f32 v26, v18;
	v2 =	vmul.f32 v58, v57  }
0xf4: {  	v62 =	vmul.f32 v23, v22;
	v61 =	vld.idx.msk [tilespmem:v7+s3+$0x0], $0xffff;
	v16 =	vmul.f32 v16, v24  }
0xf5: {  	v11 =	vld.idx.msk [tilespmem:v11+s3+$0x0], $0xffff;
	v10 =	vmul.f32 v13, v60;
	v2 =	vmul.f32 v14, v2  }
0xf6: {  	v6 =	vmul.f32 v15, v6;
	v8 =	vld.idx.msk [tilespmem:v8+s3+$0x0], $0xffff;
	v7 =	vmul.f32 v12, v62  }
0xf7: {  	v9 =	vmul.f32 v9, v16;
	v10 =	vadd.f32 v10, v17;
	v2 =	vadd.f32 v2, v19  }
0xf8: {  	v0 =	vmul.f32 v1, v0;
	v5 =	vmul.f32 v59, v20  }
0xf9: {  	v3 =	vmul.f32 v61, v6;
	v63 =	vadd.f32 v7, v10;
	v2 =	vadd.f32 v9, v2  }
0xfa: {  	v4 =	vmul.f32 v11, v4  }
0xfb: {  	s0 =	sadd.s32 $0x1, s0;
	v0 =	vmul.f32 v8, v0;
	v1 =	vadd.f32 v5, v63;
	v2 =	vadd.f32 v3, v2  }
0xfc: {  	p0 =	sne.s32 s0, $0x8  }
.Ltmp5:
0xfd: {  	v1 =	vadd.f32 v4, v1;
	v0 =	vadd.f32 v0, v2;
	(pc) =	sbr.rel @p0 .LBB2_10-.Ltmp5, $3  }
0xfe: {  	_ = 	snop  }
0xff: {  	v0 =	vadd.f32 v0, v1;
	_ =	sdelay $0x1  }
0x100: {  	s2 =	sadd.s32 $0x10, s2;
	s18 =	sadd.s32 $0x10, s18;
	[tilespmem:s19+$0x18200] =	vst v0  }
0x101: {  	_ =	swait.ge [sflag:s30], $0x2000  }
0x102: {  	[sflag:s30] =	ssyncset.done $0x0  }
0x103: {  	[sflag:s30] =	ssyncadd.s32 $0xFFFFE000  }
0x104: {  	_ =	swait.ge [sflag:s30], $0x2000  }
0x105: {  	s0 =	simm.s32 $0x0;
	[sflag:s30] =	ssyncset.done $0x0  }
0x106: {  	s2 =	simm.s32 $0x16380;
	s18 =	simm.s32 $0x12000;
	[sflag:s30] =	ssyncadd.s32 $0xFFFFE000  }
.LBB2_14:
0x107: {  	v3 =	vmov s18  }
0x108: {  	v2 =	vmov s2;
	_ =	sdelay $0x1  }
0x109: {  	s19 =	sshll.u32 s0, $0x4  }
0x10a: {  	s21 =	simm.s32 $0x0;
	v6 =	vld [tilespmem:s19+$0x18180]  }
0x10b: {  	v4 =	vld.idx.msk [tilespmem:v3+s21+$0x300 ss:$0x1], $0xffff  }
0x10c: {  	v5 =	vld.idx.msk [tilespmem:v2+s21+$0xFFFFFF80 ss:$0x1], $0xffff  }
0x10d: {  	v0 =	vld.idx.msk [tilespmem:v3+s21+$0x380 ss:$0x1], $0xffff  }
0x10e: {  	v1 =	vld.idx.msk [tilespmem:v2+s21+$0x0 ss:$0x1], $0xffff  }
0x10f: {  	v20 =	vld.idx.msk [tilespmem:v3+s21+$0x200 ss:$0x1], $0xffff  }
0x110: {  	v21 =	vld.idx.msk [tilespmem:v2+s21+$0xFFFFFE80 ss:$0x1], $0xffff  }
0x111: {  	v18 =	vimm.s32 $0x0;
	v17 =	vimm.f32 $0.0e+00;
	v15 =	vld.idx.msk [tilespmem:v2+s21+$0xFFFFFF00 ss:$0x1], $0xffff;
	v7 =	vshll.u32 v6, $0x3  }
0x112: {  	v19 =	vshll.u32 v18, $0xA;
	v22 =	vld.idx.msk [tilespmem:v3+s21+$0x100 ss:$0x1], $0xffff;
	v13 =	vand.u32 $0x7F, v6;
	v16 =	vand.u32 $0xFFFFFC00, v7  }
0x113: {  	v23 =	vld.idx.msk [tilespmem:v2+s21+$0xFFFFFD80 ss:$0x1], $0xffff;
	v14 =	vor.u32 $0x80, v13;
	v12 =	vor.u32 $0x100, v13;
	v9 =	vor.u32 $0x180, v13  }
0x114: {  	v24 =	vld.idx.msk [tilespmem:v3+s21+$0x180 ss:$0x1], $0xffff;
	v10 =	vor.u32 $0x200, v13;
	v7 =	vor.u32 $0x280, v13;
	v11 =	vor.u32 $0x300, v13  }
0x115: {  	s31 =	simm.s32 $0x1000;
	s19 =	sor.u32 $0x180, s19;
	v6 =	vld.idx.msk [tilespmem:v3+s21+$0x280 ss:$0x1], $0xffff;
	v8 =	vor.u32 $0x380, v13;
	v25 =	vadd.s32 v16, v19;
	v19 =	vimm.f32 $0.0e+00  }
.LBB2_15:
0x116: {  	p0 =	sne.s32 s31, $0x7000;
	v26 =	vor.u32 v13, v25;
	v27 =	vld.idx.msk [tilespmem:v2+s21+$0xFFFFFE00 ss:$0x1], $0xffff  }
0x117: {  	v29 =	vor.u32 v14, v25;
	v28 =	vld.idx.msk [tilespmem:v3+s21+$0x0 ss:$0x1], $0xffff  }
0x118: {  	v31 =	vor.u32 v12, v25;
	v30 =	vld.idx.msk [tilespmem:v2+s21+$0xFFFFFC80 ss:$0x1], $0xffff  }
0x119: {  	v33 =	vor.u32 v9, v25;
	v32 =	vld.idx.msk [tilespmem:v3+s21+$0x80 ss:$0x1], $0xffff  }
0x11a: {  	v35 =	vor.u32 v10, v25;
	v34 =	vld.idx.msk [tilespmem:v2+s21+$0xFFFFFD00 ss:$0x1], $0xffff  }
0x11b: {  	v36 =	vor.u32 v7, v25;
	v26 =	vld.idx.msk [tilespmem:v26+s3+$0x0], $0xffff  }
0x11c: {  	v37 =	vor.u32 v11, v25;
	v29 =	vld.idx.msk [tilespmem:v29+s3+$0x0], $0xffff  }
0x11d: {  	v25 =	vor.u32 v8, v25;
	v31 =	vld.idx.msk [tilespmem:v31+s3+$0x0], $0xffff  }
0x11e: {  	v33 =	vld.idx.msk [tilespmem:v33+s3+$0x0], $0xffff  }
0x11f: {  	v20 =	vmul.f32 v21, v20;
	v21 =	vmul.f32 v5, v4;
	v35 =	vld.idx.msk [tilespmem:v35+s3+$0x0], $0xffff  }
0x120: {  	v4 =	vmul.f32 v30, v28;
	v5 =	vmul.f32 v34, v32;
	v28 =	vld.idx.msk [tilespmem:v36+s3+$0x0], $0xffff  }
0x121: {  	v22 =	vmul.f32 v23, v22;
	v23 =	vmul.f32 v27, v24;
	v24 =	vld.idx.msk [tilespmem:v37+s3+$0x0], $0xffff  }
0x122: {  	s21 =	sshra.s32 s31, $0x2;
	v26 =	vmul.f32 v26, v4;
	v27 =	vmul.f32 v29, v5;
	v25 =	vld.idx.msk [tilespmem:v25+s3+$0x0], $0xffff  }
0x123: {  	v6 =	vmul.f32 v15, v6;
	v22 =	vmul.f32 v31, v22;
	v4 =	vld.idx.msk [tilespmem:v3+s21+$0x300 ss:$0x1], $0xffff  }
0x124: {  	v15 =	vadd.f32 v26, v17;
	v17 =	vadd.f32 v27, v19;
	v19 =	vmul.f32 v33, v23;
	v5 =	vld.idx.msk [tilespmem:v2+s21+$0xFFFFFF80 ss:$0x1], $0xffff  }
0x125: {  	v26 =	vmul.f32 v1, v0;
	v23 =	vmul.f32 v35, v20;
	v0 =	vld.idx.msk [tilespmem:v3+s21+$0x380 ss:$0x1], $0xffff  }
0x126: {  	v15 =	vadd.f32 v22, v15;
	v17 =	vadd.f32 v19, v17;
	v6 =	vmul.f32 v28, v6;
	v1 =	vld.idx.msk [tilespmem:v2+s21+$0x0 ss:$0x1], $0xffff  }
0x127: {  	v19 =	vmul.f32 v24, v21;
	v20 =	vld.idx.msk [tilespmem:v3+s21+$0x200 ss:$0x1], $0xffff  }
0x128: {  	v22 =	vadd.f32 v23, v15;
	v23 =	vadd.f32 v6, v17;
	v24 =	vmul.f32 v25, v26;
	v21 =	vld.idx.msk [tilespmem:v2+s21+$0xFFFFFE80 ss:$0x1], $0xffff  }
.Ltmp6:
0x129: {  	v6 =	vld.idx.msk [tilespmem:v3+s21+$0x280 ss:$0x1], $0xffff;
	(pc) =	sbr.rel @p0 .LBB2_15-.Ltmp6, $4  }
0x12a: {  	v17 =	vadd.f32 v19, v22;
	v19 =	vadd.f32 v24, v23;
	v15 =	vld.idx.msk [tilespmem:v2+s21+$0xFFFFFF00 ss:$0x1], $0xffff  }
0x12b: {  	v18 =	vadd.s32 $0x8, v18;
	v22 =	vld.idx.msk [tilespmem:v3+s21+$0x100 ss:$0x1], $0xffff  }
0x12c: {  	v24 =	vshll.u32 v18, $0xA;
	v23 =	vld.idx.msk [tilespmem:v2+s21+$0xFFFFFD80 ss:$0x1], $0xffff  }
0x12d: {  	s31 =	sadd.s32 $0x1000, s31;
	v25 =	vadd.s32 v16, v24;
	v24 =	vld.idx.msk [tilespmem:v3+s21+$0x180 ss:$0x1], $0xffff  }
0x12e: {  	_ =	sdelay $0x3  }
0x12f: {  	v13 =	vor.u32 v13, v25;
	v16 =	vld.idx.msk [tilespmem:v2+s21+$0xFFFFFE00 ss:$0x1], $0xffff  }
0x130: {  	v18 =	vld.idx.msk [tilespmem:v3+s21+$0x0 ss:$0x1], $0xffff;
	v14 =	vor.u32 v14, v25  }
0x131: {  	v26 =	vld.idx.msk [tilespmem:v2+s21+$0xFFFFFC80 ss:$0x1], $0xffff;
	v12 =	vor.u32 v12, v25  }
0x132: {  	v57 =	vld.idx.msk [tilespmem:v3+s21+$0x80 ss:$0x1], $0xffff;
	v9 =	vor.u32 v9, v25  }
0x133: {  	v58 =	vld.idx.msk [tilespmem:v2+s21+$0xFFFFFD00 ss:$0x1], $0xffff;
	v10 =	vor.u32 v10, v25  }
0x134: {  	v7 =	vor.u32 v7, v25;
	v13 =	vld.idx.msk [tilespmem:v13+s3+$0x0], $0xffff  }
0x135: {  	v11 =	vor.u32 v11, v25;
	v14 =	vld.idx.msk [tilespmem:v14+s3+$0x0], $0xffff  }
0x136: {  	v8 =	vor.u32 v8, v25;
	v12 =	vld.idx.msk [tilespmem:v12+s3+$0x0], $0xffff  }
0x137: {  	v20 =	vmul.f32 v21, v20;
	v4 =	vmul.f32 v5, v4;
	v9 =	vld.idx.msk [tilespmem:v9+s3+$0x0], $0xffff  }
0x138: {  	v59 =	vld.idx.msk [tilespmem:v10+s3+$0x0], $0xffff;
	v60 =	vmul.f32 v26, v18;
	v2 =	vmul.f32 v58, v57  }
0x139: {  	v62 =	vmul.f32 v23, v22;
	v61 =	vld.idx.msk [tilespmem:v7+s3+$0x0], $0xffff;
	v16 =	vmul.f32 v16, v24  }
0x13a: {  	v11 =	vld.idx.msk [tilespmem:v11+s3+$0x0], $0xffff;
	v10 =	vmul.f32 v13, v60;
	v2 =	vmul.f32 v14, v2  }
0x13b: {  	v6 =	vmul.f32 v15, v6;
	v8 =	vld.idx.msk [tilespmem:v8+s3+$0x0], $0xffff;
	v7 =	vmul.f32 v12, v62  }
0x13c: {  	v9 =	vmul.f32 v9, v16;
	v10 =	vadd.f32 v10, v17;
	v2 =	vadd.f32 v2, v19  }
0x13d: {  	v0 =	vmul.f32 v1, v0;
	v5 =	vmul.f32 v59, v20  }
0x13e: {  	v3 =	vmul.f32 v61, v6;
	v63 =	vadd.f32 v7, v10;
	v2 =	vadd.f32 v9, v2  }
0x13f: {  	v4 =	vmul.f32 v11, v4  }
0x140: {  	s0 =	sadd.s32 $0x1, s0;
	v0 =	vmul.f32 v8, v0;
	v1 =	vadd.f32 v5, v63;
	v2 =	vadd.f32 v3, v2  }
0x141: {  	p0 =	sne.s32 s0, $0x8  }
.Ltmp7:
0x142: {  	v1 =	vadd.f32 v4, v1;
	v0 =	vadd.f32 v0, v2;
	(pc) =	sbr.rel @p0 .LBB2_14-.Ltmp7, $3  }
0x143: {  	_ = 	snop  }
0x144: {  	v0 =	vadd.f32 v0, v1;
	_ =	sdelay $0x1  }
0x145: {  	s2 =	sadd.s32 $0x10, s2;
	s18 =	sadd.s32 $0x10, s18;
	[tilespmem:s19+$0x18200] =	vst v0  }
0x146: {  	s1 =	sadd.s32 $0x1, s1  }
0x147: {  	p0 =	sne.s32 s1, s16  }
.Ltmp8:
0x148: {  	s0 =	simm.s32 $0x18200;
	(pc) =	sbr.rel @p0 .LBB2_1-.Ltmp8, $4  }
0x149: {  	[hbm4b:s15+s3] =	stream.linear.scatter [tilespmem:s0], [sflag:$0x3], $0x200, $0x38;
	[tilespmem:$0x19400] =	vst v63  }
0x14a: {  	_ =	swait.ge [sflag:s20], $0x200  }
0x14b: {  	[sflag:s20] =	ssyncset.done $0x0  }
0x14c: {  	[sflag:s20] =	ssyncadd.s32 $0xFFFFFE00  }
0x14d: {  	_ =	sfence.sel $0x180000  }
0x14e: {  	[bflag:$0x0] =	sbarrier.arrive $0xFFFF  }
0x14f: {  	_ =	strace $0x90000047  }
0x150: {  	s0 =	stileid.u32;
	[bflag:$0x2] =	sbarrier.arrive $0xFFFF  }
0x151: {  	p0 =	sne.s32 s0, $0x0;
	s0 =	rddreg [dreg:$0x6]  }
0x152: {  	s0 =	sadd.s32 @!p0 $0x100000, s0  }
0x153: {  	[sflag:s0] =	ssyncadd.tile.s32 @!p0 $0x1;
	_ =	shalt  }
.Lfunc_end2:
_tile_overlayer_lowered:
.L_overlay_start_2:
0x154: {  	(tag) =	ssettag $0x2  }
0x155: {  	s0 =	rddreg [dreg:$0x0];
	s2 =	stileid.u32  }
0x156: {  	s1 =	rddreg [dreg:$0x1];
	p0 =	sne.s32 s2, $0x0  }
0x157: {  	s3 =	rddreg [dreg:$0x2];
	[bflag:$0x3] =	sbarrier.arrive $0xFFFF;
	s2 =	simm.s32 @!p0 $0x1C03  }
0x158: {  	[timem:s3], [sflag:s2] =	dma.local @!p0 [hbm:s0], s1  }
0x159: {  	s0 =	simm.s32 @!p0 $0x3  }
0x15a: {  	_ =	swait.ge @!p0 [sflag:s0], s1  }
0x15b: {  	s1 =	ssub.s32 @!p0 $0x0, s1;
	[sflag:s0] =	ssyncset.done @!p0 $0x0  }
0x15c: {  	[sflag:s0] =	ssyncadd.s32 @!p0 s1  }
0x15d: {  	[bflag:$0x3] =	sbarrier.arrive $0xFFFF  }
0x15e: {  	_ =	shalt  }

</sc_bundles>
